<compile_context>
chip_gen: v7x
topology: tpu7x:2x2x1
jax: 0.10.2.dev20260603
libtpu: 0.0.44.dev20260713+nightly
codegen_flags: <defaults>
</compile_context>

<pallas_src>
import functools

import jax
import jax.numpy as jnp
from jax import lax
from jax.experimental import pallas as pl
from jax.experimental.pallas import tpu as pltpu
from jax.experimental.pallas import tpu_sc as plsc

_BATCH = 16384
_EMB = 128
_NC = 2
_NS = 16
_NW = _NC * _NS
_BPW = _BATCH // _NW
_G = 1
_K = 16
_REPS = _BPW // _K
_LANES = _EMB // 16


def _sc_body(table_hbm, idx_hbm, out_hbm, idx_v, rows_v, row_spmem, gsem, wsem):
    cid = lax.axis_index("c")
    sid = lax.axis_index("s")
    wid = sid * _NC + cid

    @pl.when(sid == 0)
    def _gather_row():
        pltpu.sync_copy(idx_hbm, idx_v)
        pltpu.async_copy(table_hbm.at[idx_v], rows_v.at[pl.ds(0, _G)], gsem).wait()
        pltpu.sync_copy(rows_v.at[pl.ds(0, _G)], row_spmem)

    plsc.subcore_barrier()
    pltpu.sync_copy(row_spmem, rows_v.at[pl.ds(0, _G)])

    regs = [rows_v[0, pl.ds(j * 16, 16)] for j in range(_LANES)]
    for r in range(1, _K):
        for j in range(_LANES):
            rows_v[r, pl.ds(j * 16, 16)] = regs[j]

    base = wid * _BPW
    copies = [
        pltpu.async_copy(rows_v, out_hbm.at[pl.ds(base + j * _K, _K)], wsem)
        for j in range(_REPS)
    ]
    for c in copies:
        c.wait()


def kernel(pro, buf_grad, i):
    del pro
    idx = jnp.asarray(i, dtype=jnp.int32).reshape((_G,))
    mesh = plsc.VectorSubcoreMesh(core_axis_name="c", subcore_axis_name="s")
    run = functools.partial(
        pl.kernel,
        out_type=jax.ShapeDtypeStruct((_BATCH, _EMB), jnp.float32),
        mesh=mesh,
        scratch_types=[
            pltpu.VMEM((_G,), jnp.int32),
            pltpu.VMEM((_K, _EMB), jnp.float32),
            pltpu.VMEM_SHARED((_G, _EMB), jnp.float32),
            pltpu.SemaphoreType.DMA,
            pltpu.SemaphoreType.DMA,
        ],
    )(_sc_body)
    return run(buf_grad, idx)

# --- scband reference (transcript-rebuilt; emitter-appended) ---
"""Pipeline reference for scband-feat-con-polar-7172595384671 (READ-ONLY COPY).

The authoritative reference and input builder live on the scoring server;
editing this copy changes nothing except your own understanding.
"""

import jax, jax.numpy as jnp
import numpy as np

NUM_CLS = 1000
NUM_EMB = 128
BATCH = 16384


def setup_inputs(seed: int = 0) -> dict:
    key = jax.random.key(seed)
    k1, k2 = jax.random.split(key)
    pro = jax.random.normal(k1, (BATCH, NUM_EMB), dtype=jnp.float32)
    # learned parameter vec_grad ~ U[0,1), as in torch.rand(num_cls, num_emb)
    vec_grad = jax.random.uniform(k2, (NUM_CLS, NUM_EMB), dtype=jnp.float32)
    # buf_grad buffer = F.normalize(vec_grad, p=2, dim=-1)
    buf_grad = vec_grad / jnp.clip(jnp.linalg.norm(vec_grad, axis=-1, keepdims=True), 1e-12)
    return {"pro": pro, "buf_grad": buf_grad, "i": 500}


def reference(pro, buf_grad, i):
    # choice(pro, i): lab = ones(B) * i ; vec = index_select(buf_grad, 0, lab)
    lab = jnp.ones((pro.shape[0],), dtype=jnp.int32) * i
    vec = jnp.take(buf_grad, lab, axis=0)
    return vec

if __name__ == "__main__":
    import jax
    _d = setup_inputs()
    print(jax.jit(kernel)(*tuple(_d.values())))

</pallas_src>

<mosaic_0001>
#map = affine_map<(d0, d1) -> (0, 0)>
#map1 = affine_map<(d0, d1) -> (0)>
module attributes {stable_mosaic.version = 14 : i64} {
  func.func @_sc_body(%arg0: i32, %arg1: i32, %arg2: memref<1000x128xf32, #tpu.memory_space<hbm>>, %arg3: memref<1xi32, #tpu.memory_space<hbm>>, %arg4: memref<16384x128xf32, #tpu.memory_space<hbm>>, %arg5: memref<1xi32, #tpu.memory_space<vmem>>, %arg6: memref<16x128xf32, #tpu.memory_space<vmem>>, %arg7: memref<1x128xf32, #tpu.memory_space<vmem_shared>>, %arg8: memref<!tpu.dma_semaphore, #tpu.memory_space<semaphore_mem>>, %arg9: memref<!tpu.dma_semaphore, #tpu.memory_space<semaphore_mem>>) attributes {dimension_semantics = [#tpu.dimension_semantics<core_parallel>, #tpu.dimension_semantics<subcore_parallel>], iteration_bounds = array<i64: 2, 16>, scalar_prefetch = 0 : i64, scratch_operands = 5 : i64, tpu.core_type = #tpu.core_type<sc_vector_subcore>, window_params = [{transform_indices = #map}, {transform_indices = #map1}, {transform_indices = #map}]} {
    %mul3A = arith.constant 2 : i32
    %mul3A_0 = arith.muli %arg1, %mul3A : i32
    %add3A = arith.addi %mul3A_0, %arg0 : i32
    %eq3A = arith.constant 0 : i32
    %eq3A_1 = arith.cmpi eq, %arg1, %eq3A : i32
    %convert_element_type3A = arith.extui %eq3A_1 : i1 to i32
    %cond3A = arith.constant 0 : i32
    %cond3A_2 = arith.cmpi ne, %convert_element_type3A, %cond3A : i32
    scf.if %cond3A_2 {
      "tpu.region"() ({
        %run_scoped3A = tpu.sem_alloc : memref<!tpu.dma_semaphore, #tpu.memory_space<semaphore_mem>>
        tpu.enqueue_dma source(%arg3 : memref<1xi32, #tpu.memory_space<hbm>>) target(%arg5 : memref<1xi32, #tpu.memory_space<vmem>>) target_semaphore(%run_scoped3A : memref<!tpu.dma_semaphore, #tpu.memory_space<semaphore_mem>>)
        tpu.wait_dma2 semaphore(%run_scoped3A : memref<!tpu.dma_semaphore, #tpu.memory_space<semaphore_mem>>) src(%arg3 : memref<1xi32, #tpu.memory_space<hbm>>) dst(%arg5 : memref<1xi32, #tpu.memory_space<vmem>>)
        tpu.yield
      }) : () -> ()
      %dma_start3A_1081 = arith.constant 0 : i32
      %dma_start3A_1082 = arith.constant 0 : i32
      %dma_start3A_1083 = tpu.memref_slice %arg6[%dma_start3A_1081, %dma_start3A_1082] : memref<16x128xf32, #tpu.memory_space<vmem>> -> memref<1x128xf32, #tpu.memory_space<vmem>>
      %dma_start3A_1084 = arith.constant 0 : i32
      %dma_start3A_1085 = arith.constant 0 : i32
      %dma_start3A_1086 = tpu.memref_slice %arg2[%dma_start3A_1084, %dma_start3A_1085] : memref<1000x128xf32, #tpu.memory_space<hbm>> -> memref<1000x128xf32, #tpu.memory_space<hbm>>
      tpu.enqueue_indirect_dma source(%dma_start3A_1086 : memref<1000x128xf32, #tpu.memory_space<hbm>>) target(%dma_start3A_1083 : memref<1x128xf32, #tpu.memory_space<vmem>>) offsets(%arg5 : memref<1xi32, #tpu.memory_space<vmem>>) semaphore(%arg8 : memref<!tpu.dma_semaphore, #tpu.memory_space<semaphore_mem>>)
      %dma_wait3A_1087 = arith.constant 0 : i32
      %dma_wait3A_1088 = arith.constant 0 : i32
      %dma_wait3A_1089 = tpu.memref_slice %arg6[%dma_wait3A_1087, %dma_wait3A_1088] : memref<16x128xf32, #tpu.memory_space<vmem>> -> memref<1x128xf32, #tpu.memory_space<vmem>>
      %dma_wait3A_1090 = arith.constant 0 : i32
      %dma_wait3A_1091 = arith.constant 0 : i32
      %dma_wait3A_1092 = tpu.memref_slice %arg2[%dma_wait3A_1090, %dma_wait3A_1091] : memref<1000x128xf32, #tpu.memory_space<hbm>> -> memref<1000x128xf32, #tpu.memory_space<hbm>>
      tpu.wait_indirect_dma semaphore(%arg8 : memref<!tpu.dma_semaphore, #tpu.memory_space<semaphore_mem>>) src(%dma_wait3A_1092 : memref<1000x128xf32, #tpu.memory_space<hbm>>) dst(%dma_wait3A_1089 : memref<1x128xf32, #tpu.memory_space<vmem>>)
      "tpu.region"() ({
        %run_scoped3A = tpu.sem_alloc : memref<!tpu.dma_semaphore, #tpu.memory_space<semaphore_mem>>
        %dma_start3A_1093 = arith.constant 0 : i32
        %dma_start3A_1094 = arith.constant 0 : i32
        %dma_start3A_1095 = tpu.memref_slice %arg6[%dma_start3A_1093, %dma_start3A_1094] : memref<16x128xf32, #tpu.memory_space<vmem>> -> memref<1x128xf32, #tpu.memory_space<vmem>>
        %dma_start3A_1096 = arith.constant 0 : i32
        %dma_start3A_1097 = arith.constant 0 : i32
        %dma_start3A_1098 = tpu.memref_slice %arg6[%dma_start3A_1096, %dma_start3A_1097] : memref<16x128xf32, #tpu.memory_space<vmem>> -> memref<1x128xf32, #tpu.memory_space<vmem>>
        tpu.enqueue_dma source(%dma_start3A_1098 : memref<1x128xf32, #tpu.memory_space<vmem>>) target(%arg7 : memref<1x128xf32, #tpu.memory_space<vmem_shared>>) target_semaphore(%run_scoped3A : memref<!tpu.dma_semaphore, #tpu.memory_space<semaphore_mem>>)
        %dma_wait3A_1099 = arith.constant 0 : i32
        %dma_wait3A_1100 = arith.constant 0 : i32
        %dma_wait3A_1101 = tpu.memref_slice %arg6[%dma_wait3A_1099, %dma_wait3A_1100] : memref<16x128xf32, #tpu.memory_space<vmem>> -> memref<1x128xf32, #tpu.memory_space<vmem>>
        %dma_wait3A_1102 = arith.constant 0 : i32
        %dma_wait3A_1103 = arith.constant 0 : i32
        %dma_wait3A_1104 = tpu.memref_slice %arg6[%dma_wait3A_1102, %dma_wait3A_1103] : memref<16x128xf32, #tpu.memory_space<vmem>> -> memref<1x128xf32, #tpu.memory_space<vmem>>
        tpu.wait_dma2 semaphore(%run_scoped3A : memref<!tpu.dma_semaphore, #tpu.memory_space<semaphore_mem>>) src(%dma_wait3A_1104 : memref<1x128xf32, #tpu.memory_space<vmem>>) dst(%arg7 : memref<1x128xf32, #tpu.memory_space<vmem_shared>>)
        tpu.yield
      }) : () -> ()
    } else {
    }
    %barrier3A = arith.constant 0 : index
    tpu.barrier barrier_id(%barrier3A)
    "tpu.region"() ({
      %run_scoped3A = tpu.sem_alloc : memref<!tpu.dma_semaphore, #tpu.memory_space<semaphore_mem>>
      %dma_start3A_1081 = arith.constant 0 : i32
      %dma_start3A_1082 = arith.constant 0 : i32
      %dma_start3A_1083 = tpu.memref_slice %arg6[%dma_start3A_1081, %dma_start3A_1082] : memref<16x128xf32, #tpu.memory_space<vmem>> -> memref<1x128xf32, #tpu.memory_space<vmem>>
      %dma_start3A_1084 = arith.constant 0 : i32
      %dma_start3A_1085 = arith.constant 0 : i32
      %dma_start3A_1086 = tpu.memref_slice %arg6[%dma_start3A_1084, %dma_start3A_1085] : memref<16x128xf32, #tpu.memory_space<vmem>> -> memref<1x128xf32, #tpu.memory_space<vmem>>
      tpu.enqueue_dma source(%arg7 : memref<1x128xf32, #tpu.memory_space<vmem_shared>>) target(%dma_start3A_1086 : memref<1x128xf32, #tpu.memory_space<vmem>>) target_semaphore(%run_scoped3A : memref<!tpu.dma_semaphore, #tpu.memory_space<semaphore_mem>>)
      %dma_wait3A_1087 = arith.constant 0 : i32
      %dma_wait3A_1088 = arith.constant 0 : i32
      %dma_wait3A_1089 = tpu.memref_slice %arg6[%dma_wait3A_1087, %dma_wait3A_1088] : memref<16x128xf32, #tpu.memory_space<vmem>> -> memref<1x128xf32, #tpu.memory_space<vmem>>
      %dma_wait3A_1090 = arith.constant 0 : i32
      %dma_wait3A_1091 = arith.constant 0 : i32
      %dma_wait3A_1092 = tpu.memref_slice %arg6[%dma_wait3A_1090, %dma_wait3A_1091] : memref<16x128xf32, #tpu.memory_space<vmem>> -> memref<1x128xf32, #tpu.memory_space<vmem>>
      tpu.wait_dma2 semaphore(%run_scoped3A : memref<!tpu.dma_semaphore, #tpu.memory_space<semaphore_mem>>) src(%arg7 : memref<1x128xf32, #tpu.memory_space<vmem_shared>>) dst(%dma_wait3A_1092 : memref<1x128xf32, #tpu.memory_space<vmem>>)
      tpu.yield
    }) : () -> ()
    %get3A = arith.constant 0 : i32
    %get3A_3 = arith.index_cast %get3A : i32 to index
    %get3A_4 = arith.constant 0 : index
    %get3A_5 = tpu.vector_load %arg6[%get3A_3, %get3A_4] {strides = array<i32>} : memref<16x128xf32, #tpu.memory_space<vmem>>, vector<1x16xf32>,
    %get3A_6 = vector.shape_cast %get3A_5 : vector<1x16xf32> to vector<16xf32>
    %get3A_7 = arith.constant 0 : i32
    %get3A_8 = arith.index_cast %get3A_7 : i32 to index
    %get3A_9 = arith.constant 16 : index
    %get3A_10 = tpu.vector_load %arg6[%get3A_8, %get3A_9] {strides = array<i32>} : memref<16x128xf32, #tpu.memory_space<vmem>>, vector<1x16xf32>,
    %get3A_11 = vector.shape_cast %get3A_10 : vector<1x16xf32> to vector<16xf32>
    %get3A_12 = arith.constant 0 : i32
    %get3A_13 = arith.index_cast %get3A_12 : i32 to index
    %get3A_14 = arith.constant 32 : index
    %get3A_15 = tpu.vector_load %arg6[%get3A_13, %get3A_14] {strides = array<i32>} : memref<16x128xf32, #tpu.memory_space<vmem>>, vector<1x16xf32>,
    %get3A_16 = vector.shape_cast %get3A_15 : vector<1x16xf32> to vector<16xf32>
    %get3A_17 = arith.constant 0 : i32
    %get3A_18 = arith.index_cast %get3A_17 : i32 to index
    %get3A_19 = arith.constant 48 : index
    %get3A_20 = tpu.vector_load %arg6[%get3A_18, %get3A_19] {strides = array<i32>} : memref<16x128xf32, #tpu.memory_space<vmem>>, vector<1x16xf32>,
    %get3A_21 = vector.shape_cast %get3A_20 : vector<1x16xf32> to vector<16xf32>
    %get3A_22 = arith.constant 0 : i32
    %get3A_23 = arith.index_cast %get3A_22 : i32 to index
    %get3A_24 = arith.constant 64 : index
    %get3A_25 = tpu.vector_load %arg6[%get3A_23, %get3A_24] {strides = array<i32>} : memref<16x128xf32, #tpu.memory_space<vmem>>, vector<1x16xf32>,
    %get3A_26 = vector.shape_cast %get3A_25 : vector<1x16xf32> to vector<16xf32>
    %get3A_27 = arith.constant 0 : i32
    %get3A_28 = arith.index_cast %get3A_27 : i32 to index
    %get3A_29 = arith.constant 80 : index
    %get3A_30 = tpu.vector_load %arg6[%get3A_28, %get3A_29] {strides = array<i32>} : memref<16x128xf32, #tpu.memory_space<vmem>>, vector<1x16xf32>,
    %get3A_31 = vector.shape_cast %get3A_30 : vector<1x16xf32> to vector<16xf32>
    %get3A_32 = arith.constant 0 : i32
    %get3A_33 = arith.index_cast %get3A_32 : i32 to index
    %get3A_34 = arith.constant 96 : index
    %get3A_35 = tpu.vector_load %arg6[%get3A_33, %get3A_34] {strides = array<i32>} : memref<16x128xf32, #tpu.memory_space<vmem>>, vector<1x16xf32>,
    %get3A_36 = vector.shape_cast %get3A_35 : vector<1x16xf32> to vector<16xf32>
    %get3A_37 = arith.constant 0 : i32
    %get3A_38 = arith.index_cast %get3A_37 : i32 to index
    %get3A_39 = arith.constant 112 : index
    %get3A_40 = tpu.vector_load %arg6[%get3A_38, %get3A_39] {strides = array<i32>} : memref<16x128xf32, #tpu.memory_space<vmem>>, vector<1x16xf32>,
    %get3A_41 = vector.shape_cast %get3A_40 : vector<1x16xf32> to vector<16xf32>
    %swap3A = arith.constant 1 : i32
    %swap3A_42 = arith.index_cast %swap3A : i32 to index
    %swap3A_43 = arith.constant 0 : index
    %swap3A_44 = tpu.vector_load %arg6[%swap3A_42, %swap3A_43] {strides = array<i32>} : memref<16x128xf32, #tpu.memory_space<vmem>>, vector<1x16xf32>,
    %swap3A_45 = vector.shape_cast %swap3A_44 : vector<1x16xf32> to vector<16xf32>
    %swap3A_46 = vector.shape_cast %get3A_6 : vector<16xf32> to vector<1x16xf32>
    tpu.vector_store %arg6[%swap3A_42, %swap3A_43], %swap3A_46 {strides = array<i32>} : memref<16x128xf32, #tpu.memory_space<vmem>>, vector<1x16xf32>,
    %swap3A_47 = arith.constant 1 : i32
    %swap3A_48 = arith.index_cast %swap3A_47 : i32 to index
    %swap3A_49 = arith.constant 16 : index
    %swap3A_50 = tpu.vector_load %arg6[%swap3A_48, %swap3A_49] {strides = array<i32>} : memref<16x128xf32, #tpu.memory_space<vmem>>, vector<1x16xf32>,
    %swap3A_51 = vector.shape_cast %swap3A_50 : vector<1x16xf32> to vector<16xf32>
    %swap3A_52 = vector.shape_cast %get3A_11 : vector<16xf32> to vector<1x16xf32>
    tpu.vector_store %arg6[%swap3A_48, %swap3A_49], %swap3A_52 {strides = array<i32>} : memref<16x128xf32, #tpu.memory_space<vmem>>, vector<1x16xf32>,
    %swap3A_53 = arith.constant 1 : i32
    %swap3A_54 = arith.index_cast %swap3A_53 : i32 to index
    %swap3A_55 = arith.constant 32 : index
    %swap3A_56 = tpu.vector_load %arg6[%swap3A_54, %swap3A_55] {strides = array<i32>} : memref<16x128xf32, #tpu.memory_space<vmem>>, vector<1x16xf32>,
    %swap3A_57 = vector.shape_cast %swap3A_56 : vector<1x16xf32> to vector<16xf32>
    %swap3A_58 = vector.shape_cast %get3A_16 : vector<16xf32> to vector<1x16xf32>
    tpu.vector_store %arg6[%swap3A_54, %swap3A_55], %swap3A_58 {strides = array<i32>} : memref<16x128xf32, #tpu.memory_space<vmem>>, vector<1x16xf32>,
    %swap3A_59 = arith.constant 1 : i32
    %swap3A_60 = arith.index_cast %swap3A_59 : i32 to index
    %swap3A_61 = arith.constant 48 : index
    %swap3A_62 = tpu.vector_load %arg6[%swap3A_60, %swap3A_61] {strides = array<i32>} : memref<16x128xf32, #tpu.memory_space<vmem>>, vector<1x16xf32>,
    %swap3A_63 = vector.shape_cast %swap3A_62 : vector<1x16xf32> to vector<16xf32>
    %swap3A_64 = vector.shape_cast %get3A_21 : vector<16xf32> to vector<1x16xf32>
    tpu.vector_store %arg6[%swap3A_60, %swap3A_61], %swap3A_64 {strides = array<i32>} : memref<16x128xf32, #tpu.memory_space<vmem>>, vector<1x16xf32>,
    %swap3A_65 = arith.constant 1 : i32
    %swap3A_66 = arith.index_cast %swap3A_65 : i32 to index
    %swap3A_67 = arith.constant 64 : index
    %swap3A_68 = tpu.vector_load %arg6[%swap3A_66, %swap3A_67] {strides = array<i32>} : memref<16x128xf32, #tpu.memory_space<vmem>>, vector<1x16xf32>,
    %swap3A_69 = vector.shape_cast %swap3A_68 : vector<1x16xf32> to vector<16xf32>
    %swap3A_70 = vector.shape_cast %get3A_26 : vector<16xf32> to vector<1x16xf32>
    tpu.vector_store %arg6[%swap3A_66, %swap3A_67], %swap3A_70 {strides = array<i32>} : memref<16x128xf32, #tpu.memory_space<vmem>>, vector<1x16xf32>,
    %swap3A_71 = arith.constant 1 : i32
    %swap3A_72 = arith.index_cast %swap3A_71 : i32 to index
    %swap3A_73 = arith.constant 80 : index
    %swap3A_74 = tpu.vector_load %arg6[%swap3A_72, %swap3A_73] {strides = array<i32>} : memref<16x128xf32, #tpu.memory_space<vmem>>, vector<1x16xf32>,
    %swap3A_75 = vector.shape_cast %swap3A_74 : vector<1x16xf32> to vector<16xf32>
    %swap3A_76 = vector.shape_cast %get3A_31 : vector<16xf32> to vector<1x16xf32>
    tpu.vector_store %arg6[%swap3A_72, %swap3A_73], %swap3A_76 {strides = array<i32>} : memref<16x128xf32, #tpu.memory_space<vmem>>, vector<1x16xf32>,
    %swap3A_77 = arith.constant 1 : i32
    %swap3A_78 = arith.index_cast %swap3A_77 : i32 to index
    %swap3A_79 = arith.constant 96 : index
    %swap3A_80 = tpu.vector_load %arg6[%swap3A_78, %swap3A_79] {strides = array<i32>} : memref<16x128xf32, #tpu.memory_space<vmem>>, vector<1x16xf32>,
    %swap3A_81 = vector.shape_cast %swap3A_80 : vector<1x16xf32> to vector<16xf32>
    %swap3A_82 = vector.shape_cast %get3A_36 : vector<16xf32> to vector<1x16xf32>
    tpu.vector_store %arg6[%swap3A_78, %swap3A_79], %swap3A_82 {strides = array<i32>} : memref<16x128xf32, #tpu.memory_space<vmem>>, vector<1x16xf32>,
    %swap3A_83 = arith.constant 1 : i32
    %swap3A_84 = arith.index_cast %swap3A_83 : i32 to index
    %swap3A_85 = arith.constant 112 : index
    %swap3A_86 = tpu.vector_load %arg6[%swap3A_84, %swap3A_85] {strides = array<i32>} : memref<16x128xf32, #tpu.memory_space<vmem>>, vector<1x16xf32>,
    %swap3A_87 = vector.shape_cast %swap3A_86 : vector<1x16xf32> to vector<16xf32>
    %swap3A_88 = vector.shape_cast %get3A_41 : vector<16xf32> to vector<1x16xf32>
    tpu.vector_store %arg6[%swap3A_84, %swap3A_85], %swap3A_88 {strides = array<i32>} : memref<16x128xf32, #tpu.memory_space<vmem>>, vector<1x16xf32>,
    %swap3A_89 = arith.constant 2 : i32
    %swap3A_90 = arith.index_cast %swap3A_89 : i32 to index
    %swap3A_91 = arith.constant 0 : index
    %swap3A_92 = tpu.vector_load %arg6[%swap3A_90, %swap3A_91] {strides = array<i32>} : memref<16x128xf32, #tpu.memory_space<vmem>>, vector<1x16xf32>,
    %swap3A_93 = vector.shape_cast %swap3A_92 : vector<1x16xf32> to vector<16xf32>
    %swap3A_94 = vector.shape_cast %get3A_6 : vector<16xf32> to vector<1x16xf32>
    tpu.vector_store %arg6[%swap3A_90, %swap3A_91], %swap3A_94 {strides = array<i32>} : memref<16x128xf32, #tpu.memory_space<vmem>>, vector<1x16xf32>,
    %swap3A_95 = arith.constant 2 : i32
    %swap3A_96 = arith.index_cast %swap3A_95 : i32 to index
    %swap3A_97 = arith.constant 16 : index
    %swap3A_98 = tpu.vector_load %arg6[%swap3A_96, %swap3A_97] {strides = array<i32>} : memref<16x128xf32, #tpu.memory_space<vmem>>, vector<1x16xf32>,
    %swap3A_99 = vector.shape_cast %swap3A_98 : vector<1x16xf32> to vector<16xf32>
    %swap3A_100 = vector.shape_cast %get3A_11 : vector<16xf32> to vector<1x16xf32>
    tpu.vector_store %arg6[%swap3A_96, %swap3A_97], %swap3A_100 {strides = array<i32>} : memref<16x128xf32, #tpu.memory_space<vmem>>, vector<1x16xf32>,
    %swap3A_101 = arith.constant 2 : i32
    %swap3A_102 = arith.index_cast %swap3A_101 : i32 to index
    %swap3A_103 = arith.constant 32 : index
    %swap3A_104 = tpu.vector_load %arg6[%swap3A_102, %swap3A_103] {strides = array<i32>} : memref<16x128xf32, #tpu.memory_space<vmem>>, vector<1x16xf32>,
    %swap3A_105 = vector.shape_cast %swap3A_104 : vector<1x16xf32> to vector<16xf32>
    %swap3A_106 = vector.shape_cast %get3A_16 : vector<16xf32> to vector<1x16xf32>
    tpu.vector_store %arg6[%swap3A_102, %swap3A_103], %swap3A_106 {strides = array<i32>} : memref<16x128xf32, #tpu.memory_space<vmem>>, vector<1x16xf32>,
    %swap3A_107 = arith.constant 2 : i32
    %swap3A_108 = arith.index_cast %swap3A_107 : i32 to index
    %swap3A_109 = arith.constant 48 : index
    %swap3A_110 = tpu.vector_load %arg6[%swap3A_108, %swap3A_109] {strides = array<i32>} : memref<16x128xf32, #tpu.memory_space<vmem>>, vector<1x16xf32>,
    %swap3A_111 = vector.shape_cast %swap3A_110 : vector<1x16xf32> to vector<16xf32>
    %swap3A_112 = vector.shape_cast %get3A_21 : vector<16xf32> to vector<1x16xf32>
    tpu.vector_store %arg6[%swap3A_108, %swap3A_109], %swap3A_112 {strides = array<i32>} : memref<16x128xf32, #tpu.memory_space<vmem>>, vector<1x16xf32>,
    %swap3A_113 = arith.constant 2 : i32
    %swap3A_114 = arith.index_cast %swap3A_113 : i32 to index
    %swap3A_115 = arith.constant 64 : index
    %swap3A_116 = tpu.vector_load %arg6[%swap3A_114, %swap3A_115] {strides = array<i32>} : memref<16x128xf32, #tpu.memory_space<vmem>>, vector<1x16xf32>,
    %swap3A_117 = vector.shape_cast %swap3A_116 : vector<1x16xf32> to vector<16xf32>
    %swap3A_118 = vector.shape_cast %get3A_26 : vector<16xf32> to vector<1x16xf32>
    tpu.vector_store %arg6[%swap3A_114, %swap3A_115], %swap3A_118 {strides = array<i32>} : memref<16x128xf32, #tpu.memory_space<vmem>>, vector<1x16xf32>,
    %swap3A_119 = arith.constant 2 : i32
    %swap3A_120 = arith.index_cast %swap3A_119 : i32 to index
    %swap3A_121 = arith.constant 80 : index
    %swap3A_122 = tpu.vector_load %arg6[%swap3A_120, %swap3A_121] {strides = array<i32>} : memref<16x128xf32, #tpu.memory_space<vmem>>, vector<1x16xf32>,
    %swap3A_123 = vector.shape_cast %swap3A_122 : vector<1x16xf32> to vector<16xf32>
    %swap3A_124 = vector.shape_cast %get3A_31 : vector<16xf32> to vector<1x16xf32>
    tpu.vector_store %arg6[%swap3A_120, %swap3A_121], %swap3A_124 {strides = array<i32>} : memref<16x128xf32, #tpu.memory_space<vmem>>, vector<1x16xf32>,
    %swap3A_125 = arith.constant 2 : i32
    %swap3A_126 = arith.index_cast %swap3A_125 : i32 to index
    %swap3A_127 = arith.constant 96 : index
    %swap3A_128 = tpu.vector_load %arg6[%swap3A_126, %swap3A_127] {strides = array<i32>} : memref<16x128xf32, #tpu.memory_space<vmem>>, vector<1x16xf32>,
    %swap3A_129 = vector.shape_cast %swap3A_128 : vector<1x16xf32> to vector<16xf32>
    %swap3A_130 = vector.shape_cast %get3A_36 : vector<16xf32> to vector<1x16xf32>
    tpu.vector_store %arg6[%swap3A_126, %swap3A_127], %swap3A_130 {strides = array<i32>} : memref<16x128xf32, #tpu.memory_space<vmem>>, vector<1x16xf32>,
    %swap3A_131 = arith.constant 2 : i32
    %swap3A_132 = arith.index_cast %swap3A_131 : i32 to index
    %swap3A_133 = arith.constant 112 : index
    %swap3A_134 = tpu.vector_load %arg6[%swap3A_132, %swap3A_133] {strides = array<i32>} : memref<16x128xf32, #tpu.memory_space<vmem>>, vector<1x16xf32>,
    %swap3A_135 = vector.shape_cast %swap3A_134 : vector<1x16xf32> to vector<16xf32>
    %swap3A_136 = vector.shape_cast %get3A_41 : vector<16xf32> to vector<1x16xf32>
    tpu.vector_store %arg6[%swap3A_132, %swap3A_133], %swap3A_136 {strides = array<i32>} : memref<16x128xf32, #tpu.memory_space<vmem>>, vector<1x16xf32>,
    %swap3A_137 = arith.constant 3 : i32
    %swap3A_138 = arith.index_cast %swap3A_137 : i32 to index
    %swap3A_139 = arith.constant 0 : index
    %swap3A_140 = tpu.vector_load %arg6[%swap3A_138, %swap3A_139] {strides = array<i32>} : memref<16x128xf32, #tpu.memory_space<vmem>>, vector<1x16xf32>,
    %swap3A_141 = vector.shape_cast %swap3A_140 : vector<1x16xf32> to vector<16xf32>
    %swap3A_142 = vector.shape_cast %get3A_6 : vector<16xf32> to vector<1x16xf32>
    tpu.vector_store %arg6[%swap3A_138, %swap3A_139], %swap3A_142 {strides = array<i32>} : memref<16x128xf32, #tpu.memory_space<vmem>>, vector<1x16xf32>,
    %swap3A_143 = arith.constant 3 : i32
    %swap3A_144 = arith.index_cast %swap3A_143 : i32 to index
    %swap3A_145 = arith.constant 16 : index
    %swap3A_146 = tpu.vector_load %arg6[%swap3A_144, %swap3A_145] {strides = array<i32>} : memref<16x128xf32, #tpu.memory_space<vmem>>, vector<1x16xf32>,
    %swap3A_147 = vector.shape_cast %swap3A_146 : vector<1x16xf32> to vector<16xf32>
    %swap3A_148 = vector.shape_cast %get3A_11 : vector<16xf32> to vector<1x16xf32>
    tpu.vector_store %arg6[%swap3A_144, %swap3A_145], %swap3A_148 {strides = array<i32>} : memref<16x128xf32, #tpu.memory_space<vmem>>, vector<1x16xf32>,
    %swap3A_149 = arith.constant 3 : i32
    %swap3A_150 = arith.index_cast %swap3A_149 : i32 to index
    %swap3A_151 = arith.constant 32 : index
    %swap3A_152 = tpu.vector_load %arg6[%swap3A_150, %swap3A_151] {strides = array<i32>} : memref<16x128xf32, #tpu.memory_space<vmem>>, vector<1x16xf32>,
    %swap3A_153 = vector.shape_cast %swap3A_152 : vector<1x16xf32> to vector<16xf32>
    %swap3A_154 = vector.shape_cast %get3A_16 : vector<16xf32> to vector<1x16xf32>
    tpu.vector_store %arg6[%swap3A_150, %swap3A_151], %swap3A_154 {strides = array<i32>} : memref<16x128xf32, #tpu.memory_space<vmem>>, vector<1x16xf32>,
    %swap3A_155 = arith.constant 3 : i32
    %swap3A_156 = arith.index_cast %swap3A_155 : i32 to index
    %swap3A_157 = arith.constant 48 : index
    %swap3A_158 = tpu.vector_load %arg6[%swap3A_156, %swap3A_157] {strides = array<i32>} : memref<16x128xf32, #tpu.memory_space<vmem>>, vector<1x16xf32>,
    %swap3A_159 = vector.shape_cast %swap3A_158 : vector<1x16xf32> to vector<16xf32>
    %swap3A_160 = vector.shape_cast %get3A_21 : vector<16xf32> to vector<1x16xf32>
    tpu.vector_store %arg6[%swap3A_156, %swap3A_157], %swap3A_160 {strides = array<i32>} : memref<16x128xf32, #tpu.memory_space<vmem>>, vector<1x16xf32>,
    %swap3A_161 = arith.constant 3 : i32
    %swap3A_162 = arith.index_cast %swap3A_161 : i32 to index
    %swap3A_163 = arith.constant 64 : index
    %swap3A_164 = tpu.vector_load %arg6[%swap3A_162, %swap3A_163] {strides = array<i32>} : memref<16x128xf32, #tpu.memory_space<vmem>>, vector<1x16xf32>,
    %swap3A_165 = vector.shape_cast %swap3A_164 : vector<1x16xf32> to vector<16xf32>
    %swap3A_166 = vector.shape_cast %get3A_26 : vector<16xf32> to vector<1x16xf32>
    tpu.vector_store %arg6[%swap3A_162, %swap3A_163], %swap3A_166 {strides = array<i32>} : memref<16x128xf32, #tpu.memory_space<vmem>>, vector<1x16xf32>,
    %swap3A_167 = arith.constant 3 : i32
    %swap3A_168 = arith.index_cast %swap3A_167 : i32 to index
    %swap3A_169 = arith.constant 80 : index
    %swap3A_170 = tpu.vector_load %arg6[%swap3A_168, %swap3A_169] {strides = array<i32>} : memref<16x128xf32, #tpu.memory_space<vmem>>, vector<1x16xf32>,
    %swap3A_171 = vector.shape_cast %swap3A_170 : vector<1x16xf32> to vector<16xf32>
    %swap3A_172 = vector.shape_cast %get3A_31 : vector<16xf32> to vector<1x16xf32>
    tpu.vector_store %arg6[%swap3A_168, %swap3A_169], %swap3A_172 {strides = array<i32>} : memref<16x128xf32, #tpu.memory_space<vmem>>, vector<1x16xf32>,
    %swap3A_173 = arith.constant 3 : i32
    %swap3A_174 = arith.index_cast %swap3A_173 : i32 to index
    %swap3A_175 = arith.constant 96 : index
    %swap3A_176 = tpu.vector_load %arg6[%swap3A_174, %swap3A_175] {strides = array<i32>} : memref<16x128xf32, #tpu.memory_space<vmem>>, vector<1x16xf32>,
    %swap3A_177 = vector.shape_cast %swap3A_176 : vector<1x16xf32> to vector<16xf32>
    %swap3A_178 = vector.shape_cast %get3A_36 : vector<16xf32> to vector<1x16xf32>
    tpu.vector_store %arg6[%swap3A_174, %swap3A_175], %swap3A_178 {strides = array<i32>} : memref<16x128xf32, #tpu.memory_space<vmem>>, vector<1x16xf32>,
    %swap3A_179 = arith.constant 3 : i32
    %swap3A_180 = arith.index_cast %swap3A_179 : i32 to index
    %swap3A_181 = arith.constant 112 : index
    %swap3A_182 = tpu.vector_load %arg6[%swap3A_180, %swap3A_181] {strides = array<i32>} : memref<16x128xf32, #tpu.memory_space<vmem>>, vector<1x16xf32>,
    %swap3A_183 = vector.shape_cast %swap3A_182 : vector<1x16xf32> to vector<16xf32>
    %swap3A_184 = vector.shape_cast %get3A_41 : vector<16xf32> to vector<1x16xf32>
    tpu.vector_store %arg6[%swap3A_180, %swap3A_181], %swap3A_184 {strides = array<i32>} : memref<16x128xf32, #tpu.memory_space<vmem>>, vector<1x16xf32>,
    %swap3A_185 = arith.constant 4 : i32
    %swap3A_186 = arith.index_cast %swap3A_185 : i32 to index
    %swap3A_187 = arith.constant 0 : index
    %swap3A_188 = tpu.vector_load %arg6[%swap3A_186, %swap3A_187] {strides = array<i32>} : memref<16x128xf32, #tpu.memory_space<vmem>>, vector<1x16xf32>,
    %swap3A_189 = vector.shape_cast %swap3A_188 : vector<1x16xf32> to vector<16xf32>
    %swap3A_190 = vector.shape_cast %get3A_6 : vector<16xf32> to vector<1x16xf32>
    tpu.vector_store %arg6[%swap3A_186, %swap3A_187], %swap3A_190 {strides = array<i32>} : memref<16x128xf32, #tpu.memory_space<vmem>>, vector<1x16xf32>,
    %swap3A_191 = arith.constant 4 : i32
    %swap3A_192 = arith.index_cast %swap3A_191 : i32 to index
    %swap3A_193 = arith.constant 16 : index
    %swap3A_194 = tpu.vector_load %arg6[%swap3A_192, %swap3A_193] {strides = array<i32>} : memref<16x128xf32, #tpu.memory_space<vmem>>, vector<1x16xf32>,
    %swap3A_195 = vector.shape_cast %swap3A_194 : vector<1x16xf32> to vector<16xf32>
    %swap3A_196 = vector.shape_cast %get3A_11 : vector<16xf32> to vector<1x16xf32>
    tpu.vector_store %arg6[%swap3A_192, %swap3A_193], %swap3A_196 {strides = array<i32>} : memref<16x128xf32, #tpu.memory_space<vmem>>, vector<1x16xf32>,
    %swap3A_197 = arith.constant 4 : i32
    %swap3A_198 = arith.index_cast %swap3A_197 : i32 to index
    %swap3A_199 = arith.constant 32 : index
    %swap3A_200 = tpu.vector_load %arg6[%swap3A_198, %swap3A_199] {strides = array<i32>} : memref<16x128xf32, #tpu.memory_space<vmem>>, vector<1x16xf32>,
    %swap3A_201 = vector.shape_cast %swap3A_200 : vector<1x16xf32> to vector<16xf32>
    %swap3A_202 = vector.shape_cast %get3A_16 : vector<16xf32> to vector<1x16xf32>
    tpu.vector_store %arg6[%swap3A_198, %swap3A_199], %swap3A_202 {strides = array<i32>} : memref<16x128xf32, #tpu.memory_space<vmem>>, vector<1x16xf32>,
    %swap3A_203 = arith.constant 4 : i32
    %swap3A_204 = arith.index_cast %swap3A_203 : i32 to index
    %swap3A_205 = arith.constant 48 : index
    %swap3A_206 = tpu.vector_load %arg6[%swap3A_204, %swap3A_205] {strides = array<i32>} : memref<16x128xf32, #tpu.memory_space<vmem>>, vector<1x16xf32>,
    %swap3A_207 = vector.shape_cast %swap3A_206 : vector<1x16xf32> to vector<16xf32>
    %swap3A_208 = vector.shape_cast %get3A_21 : vector<16xf32> to vector<1x16xf32>
    tpu.vector_store %arg6[%swap3A_204, %swap3A_205], %swap3A_208 {strides = array<i32>} : memref<16x128xf32, #tpu.memory_space<vmem>>, vector<1x16xf32>,
    %swap3A_209 = arith.constant 4 : i32
    %swap3A_210 = arith.index_cast %swap3A_209 : i32 to index
    %swap3A_211 = arith.constant 64 : index
    %swap3A_212 = tpu.vector_load %arg6[%swap3A_210, %swap3A_211] {strides = array<i32>} : memref<16x128xf32, #tpu.memory_space<vmem>>, vector<1x16xf32>,
    %swap3A_213 = vector.shape_cast %swap3A_212 : vector<1x16xf32> to vector<16xf32>
    %swap3A_214 = vector.shape_cast %get3A_26 : vector<16xf32> to vector<1x16xf32>
    tpu.vector_store %arg6[%swap3A_210, %swap3A_211], %swap3A_214 {strides = array<i32>} : memref<16x128xf32, #tpu.memory_space<vmem>>, vector<1x16xf32>,
    %swap3A_215 = arith.constant 4 : i32
    %swap3A_216 = arith.index_cast %swap3A_215 : i32 to index
    %swap3A_217 = arith.constant 80 : index
    %swap3A_218 = tpu.vector_load %arg6[%swap3A_216, %swap3A_217] {strides = array<i32>} : memref<16x128xf32, #tpu.memory_space<vmem>>, vector<1x16xf32>,
    %swap3A_219 = vector.shape_cast %swap3A_218 : vector<1x16xf32> to vector<16xf32>
    %swap3A_220 = vector.shape_cast %get3A_31 : vector<16xf32> to vector<1x16xf32>
    tpu.vector_store %arg6[%swap3A_216, %swap3A_217], %swap3A_220 {strides = array<i32>} : memref<16x128xf32, #tpu.memory_space<vmem>>, vector<1x16xf32>,
    %swap3A_221 = arith.constant 4 : i32
    %swap3A_222 = arith.index_cast %swap3A_221 : i32 to index
    %swap3A_223 = arith.constant 96 : index
    %swap3A_224 = tpu.vector_load %arg6[%swap3A_222, %swap3A_223] {strides = array<i32>} : memref<16x128xf32, #tpu.memory_space<vmem>>, vector<1x16xf32>,
    %swap3A_225 = vector.shape_cast %swap3A_224 : vector<1x16xf32> to vector<16xf32>
    %swap3A_226 = vector.shape_cast %get3A_36 : vector<16xf32> to vector<1x16xf32>
    tpu.vector_store %arg6[%swap3A_222, %swap3A_223], %swap3A_226 {strides = array<i32>} : memref<16x128xf32, #tpu.memory_space<vmem>>, vector<1x16xf32>,
    %swap3A_227 = arith.constant 4 : i32
    %swap3A_228 = arith.index_cast %swap3A_227 : i32 to index
    %swap3A_229 = arith.constant 112 : index
    %swap3A_230 = tpu.vector_load %arg6[%swap3A_228, %swap3A_229] {strides = array<i32>} : memref<16x128xf32, #tpu.memory_space<vmem>>, vector<1x16xf32>,
    %swap3A_231 = vector.shape_cast %swap3A_230 : vector<1x16xf32> to vector<16xf32>
    %swap3A_232 = vector.shape_cast %get3A_41 : vector<16xf32> to vector<1x16xf32>
    tpu.vector_store %arg6[%swap3A_228, %swap3A_229], %swap3A_232 {strides = array<i32>} : memref<16x128xf32, #tpu.memory_space<vmem>>, vector<1x16xf32>,
    %swap3A_233 = arith.constant 5 : i32
    %swap3A_234 = arith.index_cast %swap3A_233 : i32 to index
    %swap3A_235 = arith.constant 0 : index
    %swap3A_236 = tpu.vector_load %arg6[%swap3A_234, %swap3A_235] {strides = array<i32>} : memref<16x128xf32, #tpu.memory_space<vmem>>, vector<1x16xf32>,
    %swap3A_237 = vector.shape_cast %swap3A_236 : vector<1x16xf32> to vector<16xf32>
    %swap3A_238 = vector.shape_cast %get3A_6 : vector<16xf32> to vector<1x16xf32>
    tpu.vector_store %arg6[%swap3A_234, %swap3A_235], %swap3A_238 {strides = array<i32>} : memref<16x128xf32, #tpu.memory_space<vmem>>, vector<1x16xf32>,
    %swap3A_239 = arith.constant 5 : i32
    %swap3A_240 = arith.index_cast %swap3A_239 : i32 to index
    %swap3A_241 = arith.constant 16 : index
    %swap3A_242 = tpu.vector_load %arg6[%swap3A_240, %swap3A_241] {strides = array<i32>} : memref<16x128xf32, #tpu.memory_space<vmem>>, vector<1x16xf32>,
    %swap3A_243 = vector.shape_cast %swap3A_242 : vector<1x16xf32> to vector<16xf32>
    %swap3A_244 = vector.shape_cast %get3A_11 : vector<16xf32> to vector<1x16xf32>
    tpu.vector_store %arg6[%swap3A_240, %swap3A_241], %swap3A_244 {strides = array<i32>} : memref<16x128xf32, #tpu.memory_space<vmem>>, vector<1x16xf32>,
    %swap3A_245 = arith.constant 5 : i32
    %swap3A_246 = arith.index_cast %swap3A_245 : i32 to index
    %swap3A_247 = arith.constant 32 : index
    %swap3A_248 = tpu.vector_load %arg6[%swap3A_246, %swap3A_247] {strides = array<i32>} : memref<16x128xf32, #tpu.memory_space<vmem>>, vector<1x16xf32>,
    %swap3A_249 = vector.shape_cast %swap3A_248 : vector<1x16xf32> to vector<16xf32>
    %swap3A_250 = vector.shape_cast %get3A_16 : vector<16xf32> to vector<1x16xf32>
    tpu.vector_store %arg6[%swap3A_246, %swap3A_247], %swap3A_250 {strides = array<i32>} : memref<16x128xf32, #tpu.memory_space<vmem>>, vector<1x16xf32>,
    %swap3A_251 = arith.constant 5 : i32
    %swap3A_252 = arith.index_cast %swap3A_251 : i32 to index
    %swap3A_253 = arith.constant 48 : index
    %swap3A_254 = tpu.vector_load %arg6[%swap3A_252, %swap3A_253] {strides = array<i32>} : memref<16x128xf32, #tpu.memory_space<vmem>>, vector<1x16xf32>,
    %swap3A_255 = vector.shape_cast %swap3A_254 : vector<1x16xf32> to vector<16xf32>
    %swap3A_256 = vector.shape_cast %get3A_21 : vector<16xf32> to vector<1x16xf32>
    tpu.vector_store %arg6[%swap3A_252, %swap3A_253], %swap3A_256 {strides = array<i32>} : memref<16x128xf32, #tpu.memory_space<vmem>>, vector<1x16xf32>,
    %swap3A_257 = arith.constant 5 : i32
    %swap3A_258 = arith.index_cast %swap3A_257 : i32 to index
    %swap3A_259 = arith.constant 64 : index
    %swap3A_260 = tpu.vector_load %arg6[%swap3A_258, %swap3A_259] {strides = array<i32>} : memref<16x128xf32, #tpu.memory_space<vmem>>, vector<1x16xf32>,
    %swap3A_261 = vector.shape_cast %swap3A_260 : vector<1x16xf32> to vector<16xf32>
    %swap3A_262 = vector.shape_cast %get3A_26 : vector<16xf32> to vector<1x16xf32>
    tpu.vector_store %arg6[%swap3A_258, %swap3A_259], %swap3A_262 {strides = array<i32>} : memref<16x128xf32, #tpu.memory_space<vmem>>, vector<1x16xf32>,
    %swap3A_263 = arith.constant 5 : i32
    %swap3A_264 = arith.index_cast %swap3A_263 : i32 to index
    %swap3A_265 = arith.constant 80 : index
    %swap3A_266 = tpu.vector_load %arg6[%swap3A_264, %swap3A_265] {strides = array<i32>} : memref<16x128xf32, #tpu.memory_space<vmem>>, vector<1x16xf32>,
    %swap3A_267 = vector.shape_cast %swap3A_266 : vector<1x16xf32> to vector<16xf32>
    %swap3A_268 = vector.shape_cast %get3A_31 : vector<16xf32> to vector<1x16xf32>
    tpu.vector_store %arg6[%swap3A_264, %swap3A_265], %swap3A_268 {strides = array<i32>} : memref<16x128xf32, #tpu.memory_space<vmem>>, vector<1x16xf32>,
    %swap3A_269 = arith.constant 5 : i32
    %swap3A_270 = arith.index_cast %swap3A_269 : i32 to index
    %swap3A_271 = arith.constant 96 : index
    %swap3A_272 = tpu.vector_load %arg6[%swap3A_270, %swap3A_271] {strides = array<i32>} : memref<16x128xf32, #tpu.memory_space<vmem>>, vector<1x16xf32>,
    %swap3A_273 = vector.shape_cast %swap3A_272 : vector<1x16xf32> to vector<16xf32>
    %swap3A_274 = vector.shape_cast %get3A_36 : vector<16xf32> to vector<1x16xf32>
    tpu.vector_store %arg6[%swap3A_270, %swap3A_271], %swap3A_274 {strides = array<i32>} : memref<16x128xf32, #tpu.memory_space<vmem>>, vector<1x16xf32>,
    %swap3A_275 = arith.constant 5 : i32
    %swap3A_276 = arith.index_cast %swap3A_275 : i32 to index
    %swap3A_277 = arith.constant 112 : index
    %swap3A_278 = tpu.vector_load %arg6[%swap3A_276, %swap3A_277] {strides = array<i32>} : memref<16x128xf32, #tpu.memory_space<vmem>>, vector<1x16xf32>,
    %swap3A_279 = vector.shape_cast %swap3A_278 : vector<1x16xf32> to vector<16xf32>
    %swap3A_280 = vector.shape_cast %get3A_41 : vector<16xf32> to vector<1x16xf32>
    tpu.vector_store %arg6[%swap3A_276, %swap3A_277], %swap3A_280 {strides = array<i32>} : memref<16x128xf32, #tpu.memory_space<vmem>>, vector<1x16xf32>,
    %swap3A_281 = arith.constant 6 : i32
    %swap3A_282 = arith.index_cast %swap3A_281 : i32 to index
    %swap3A_283 = arith.constant 0 : index
    %swap3A_284 = tpu.vector_load %arg6[%swap3A_282, %swap3A_283] {strides = array<i32>} : memref<16x128xf32, #tpu.memory_space<vmem>>, vector<1x16xf32>,
    %swap3A_285 = vector.shape_cast %swap3A_284 : vector<1x16xf32> to vector<16xf32>
    %swap3A_286 = vector.shape_cast %get3A_6 : vector<16xf32> to vector<1x16xf32>
    tpu.vector_store %arg6[%swap3A_282, %swap3A_283], %swap3A_286 {strides = array<i32>} : memref<16x128xf32, #tpu.memory_space<vmem>>, vector<1x16xf32>,
    %swap3A_287 = arith.constant 6 : i32
    %swap3A_288 = arith.index_cast %swap3A_287 : i32 to index
    %swap3A_289 = arith.constant 16 : index
    %swap3A_290 = tpu.vector_load %arg6[%swap3A_288, %swap3A_289] {strides = array<i32>} : memref<16x128xf32, #tpu.memory_space<vmem>>, vector<1x16xf32>,
    %swap3A_291 = vector.shape_cast %swap3A_290 : vector<1x16xf32> to vector<16xf32>
    %swap3A_292 = vector.shape_cast %get3A_11 : vector<16xf32> to vector<1x16xf32>
    tpu.vector_store %arg6[%swap3A_288, %swap3A_289], %swap3A_292 {strides = array<i32>} : memref<16x128xf32, #tpu.memory_space<vmem>>, vector<1x16xf32>,
    %swap3A_293 = arith.constant 6 : i32
    %swap3A_294 = arith.index_cast %swap3A_293 : i32 to index
    %swap3A_295 = arith.constant 32 : index
    %swap3A_296 = tpu.vector_load %arg6[%swap3A_294, %swap3A_295] {strides = array<i32>} : memref<16x128xf32, #tpu.memory_space<vmem>>, vector<1x16xf32>,
    %swap3A_297 = vector.shape_cast %swap3A_296 : vector<1x16xf32> to vector<16xf32>
    %swap3A_298 = vector.shape_cast %get3A_16 : vector<16xf32> to vector<1x16xf32>
    tpu.vector_store %arg6[%swap3A_294, %swap3A_295], %swap3A_298 {strides = array<i32>} : memref<16x128xf32, #tpu.memory_space<vmem>>, vector<1x16xf32>,
    %swap3A_299 = arith.constant 6 : i32
    %swap3A_300 = arith.index_cast %swap3A_299 : i32 to index
    %swap3A_301 = arith.constant 48 : index
    %swap3A_302 = tpu.vector_load %arg6[%swap3A_300, %swap3A_301] {strides = array<i32>} : memref<16x128xf32, #tpu.memory_space<vmem>>, vector<1x16xf32>,
    %swap3A_303 = vector.shape_cast %swap3A_302 : vector<1x16xf32> to vector<16xf32>
    %swap3A_304 = vector.shape_cast %get3A_21 : vector<16xf32> to vector<1x16xf32>
    tpu.vector_store %arg6[%swap3A_300, %swap3A_301], %swap3A_304 {strides = array<i32>} : memref<16x128xf32, #tpu.memory_space<vmem>>, vector<1x16xf32>,
    %swap3A_305 = arith.constant 6 : i32
    %swap3A_306 = arith.index_cast %swap3A_305 : i32 to index
    %swap3A_307 = arith.constant 64 : index
    %swap3A_308 = tpu.vector_load %arg6[%swap3A_306, %swap3A_307] {strides = array<i32>} : memref<16x128xf32, #tpu.memory_space<vmem>>, vector<1x16xf32>,
    %swap3A_309 = vector.shape_cast %swap3A_308 : vector<1x16xf32> to vector<16xf32>
    %swap3A_310 = vector.shape_cast %get3A_26 : vector<16xf32> to vector<1x16xf32>
    tpu.vector_store %arg6[%swap3A_306, %swap3A_307], %swap3A_310 {strides = array<i32>} : memref<16x128xf32, #tpu.memory_space<vmem>>, vector<1x16xf32>,
    %swap3A_311 = arith.constant 6 : i32
    %swap3A_312 = arith.index_cast %swap3A_311 : i32 to index
    %swap3A_313 = arith.constant 80 : index
    %swap3A_314 = tpu.vector_load %arg6[%swap3A_312, %swap3A_313] {strides = array<i32>} : memref<16x128xf32, #tpu.memory_space<vmem>>, vector<1x16xf32>,
    %swap3A_315 = vector.shape_cast %swap3A_314 : vector<1x16xf32> to vector<16xf32>
    %swap3A_316 = vector.shape_cast %get3A_31 : vector<16xf32> to vector<1x16xf32>
    tpu.vector_store %arg6[%swap3A_312, %swap3A_313], %swap3A_316 {strides = array<i32>} : memref<16x128xf32, #tpu.memory_space<vmem>>, vector<1x16xf32>,
    %swap3A_317 = arith.constant 6 : i32
    %swap3A_318 = arith.index_cast %swap3A_317 : i32 to index
    %swap3A_319 = arith.constant 96 : index
    %swap3A_320 = tpu.vector_load %arg6[%swap3A_318, %swap3A_319] {strides = array<i32>} : memref<16x128xf32, #tpu.memory_space<vmem>>, vector<1x16xf32>,
    %swap3A_321 = vector.shape_cast %swap3A_320 : vector<1x16xf32> to vector<16xf32>
    %swap3A_322 = vector.shape_cast %get3A_36 : vector<16xf32> to vector<1x16xf32>
    tpu.vector_store %arg6[%swap3A_318, %swap3A_319], %swap3A_322 {strides = array<i32>} : memref<16x128xf32, #tpu.memory_space<vmem>>, vector<1x16xf32>,
    %swap3A_323 = arith.constant 6 : i32
    %swap3A_324 = arith.index_cast %swap3A_323 : i32 to index
    %swap3A_325 = arith.constant 112 : index
    %swap3A_326 = tpu.vector_load %arg6[%swap3A_324, %swap3A_325] {strides = array<i32>} : memref<16x128xf32, #tpu.memory_space<vmem>>, vector<1x16xf32>,
    %swap3A_327 = vector.shape_cast %swap3A_326 : vector<1x16xf32> to vector<16xf32>
    %swap3A_328 = vector.shape_cast %get3A_41 : vector<16xf32> to vector<1x16xf32>
    tpu.vector_store %arg6[%swap3A_324, %swap3A_325], %swap3A_328 {strides = array<i32>} : memref<16x128xf32, #tpu.memory_space<vmem>>, vector<1x16xf32>,
    %swap3A_329 = arith.constant 7 : i32
    %swap3A_330 = arith.index_cast %swap3A_329 : i32 to index
    %swap3A_331 = arith.constant 0 : index
    %swap3A_332 = tpu.vector_load %arg6[%swap3A_330, %swap3A_331] {strides = array<i32>} : memref<16x128xf32, #tpu.memory_space<vmem>>, vector<1x16xf32>,
    %swap3A_333 = vector.shape_cast %swap3A_332 : vector<1x16xf32> to vector<16xf32>
    %swap3A_334 = vector.shape_cast %get3A_6 : vector<16xf32> to vector<1x16xf32>
    tpu.vector_store %arg6[%swap3A_330, %swap3A_331], %swap3A_334 {strides = array<i32>} : memref<16x128xf32, #tpu.memory_space<vmem>>, vector<1x16xf32>,
    %swap3A_335 = arith.constant 7 : i32
    %swap3A_336 = arith.index_cast %swap3A_335 : i32 to index
    %swap3A_337 = arith.constant 16 : index
    %swap3A_338 = tpu.vector_load %arg6[%swap3A_336, %swap3A_337] {strides = array<i32>} : memref<16x128xf32, #tpu.memory_space<vmem>>, vector<1x16xf32>,
    %swap3A_339 = vector.shape_cast %swap3A_338 : vector<1x16xf32> to vector<16xf32>
    %swap3A_340 = vector.shape_cast %get3A_11 : vector<16xf32> to vector<1x16xf32>
    tpu.vector_store %arg6[%swap3A_336, %swap3A_337], %swap3A_340 {strides = array<i32>} : memref<16x128xf32, #tpu.memory_space<vmem>>, vector<1x16xf32>,
    %swap3A_341 = arith.constant 7 : i32
    %swap3A_342 = arith.index_cast %swap3A_341 : i32 to index
    %swap3A_343 = arith.constant 32 : index
    %swap3A_344 = tpu.vector_load %arg6[%swap3A_342, %swap3A_343] {strides = array<i32>} : memref<16x128xf32, #tpu.memory_space<vmem>>, vector<1x16xf32>,
    %swap3A_345 = vector.shape_cast %swap3A_344 : vector<1x16xf32> to vector<16xf32>
    %swap3A_346 = vector.shape_cast %get3A_16 : vector<16xf32> to vector<1x16xf32>
    tpu.vector_store %arg6[%swap3A_342, %swap3A_343], %swap3A_346 {strides = array<i32>} : memref<16x128xf32, #tpu.memory_space<vmem>>, vector<1x16xf32>,
    %swap3A_347 = arith.constant 7 : i32
    %swap3A_348 = arith.index_cast %swap3A_347 : i32 to index
    %swap3A_349 = arith.constant 48 : index
    %swap3A_350 = tpu.vector_load %arg6[%swap3A_348, %swap3A_349] {strides = array<i32>} : memref<16x128xf32, #tpu.memory_space<vmem>>, vector<1x16xf32>,
    %swap3A_351 = vector.shape_cast %swap3A_350 : vector<1x16xf32> to vector<16xf32>
    %swap3A_352 = vector.shape_cast %get3A_21 : vector<16xf32> to vector<1x16xf32>
    tpu.vector_store %arg6[%swap3A_348, %swap3A_349], %swap3A_352 {strides = array<i32>} : memref<16x128xf32, #tpu.memory_space<vmem>>, vector<1x16xf32>,
    %swap3A_353 = arith.constant 7 : i32
    %swap3A_354 = arith.index_cast %swap3A_353 : i32 to index
    %swap3A_355 = arith.constant 64 : index
    %swap3A_356 = tpu.vector_load %arg6[%swap3A_354, %swap3A_355] {strides = array<i32>} : memref<16x128xf32, #tpu.memory_space<vmem>>, vector<1x16xf32>,
    %swap3A_357 = vector.shape_cast %swap3A_356 : vector<1x16xf32> to vector<16xf32>
    %swap3A_358 = vector.shape_cast %get3A_26 : vector<16xf32> to vector<1x16xf32>
    tpu.vector_store %arg6[%swap3A_354, %swap3A_355], %swap3A_358 {strides = array<i32>} : memref<16x128xf32, #tpu.memory_space<vmem>>, vector<1x16xf32>,
    %swap3A_359 = arith.constant 7 : i32
    %swap3A_360 = arith.index_cast %swap3A_359 : i32 to index
    %swap3A_361 = arith.constant 80 : index
    %swap3A_362 = tpu.vector_load %arg6[%swap3A_360, %swap3A_361] {strides = array<i32>} : memref<16x128xf32, #tpu.memory_space<vmem>>, vector<1x16xf32>,
    %swap3A_363 = vector.shape_cast %swap3A_362 : vector<1x16xf32> to vector<16xf32>
    %swap3A_364 = vector.shape_cast %get3A_31 : vector<16xf32> to vector<1x16xf32>
    tpu.vector_store %arg6[%swap3A_360, %swap3A_361], %swap3A_364 {strides = array<i32>} : memref<16x128xf32, #tpu.memory_space<vmem>>, vector<1x16xf32>,
    %swap3A_365 = arith.constant 7 : i32
    %swap3A_366 = arith.index_cast %swap3A_365 : i32 to index
    %swap3A_367 = arith.constant 96 : index
    %swap3A_368 = tpu.vector_load %arg6[%swap3A_366, %swap3A_367] {strides = array<i32>} : memref<16x128xf32, #tpu.memory_space<vmem>>, vector<1x16xf32>,
    %swap3A_369 = vector.shape_cast %swap3A_368 : vector<1x16xf32> to vector<16xf32>
    %swap3A_370 = vector.shape_cast %get3A_36 : vector<16xf32> to vector<1x16xf32>
    tpu.vector_store %arg6[%swap3A_366, %swap3A_367], %swap3A_370 {strides = array<i32>} : memref<16x128xf32, #tpu.memory_space<vmem>>, vector<1x16xf32>,
    %swap3A_371 = arith.constant 7 : i32
    %swap3A_372 = arith.index_cast %swap3A_371 : i32 to index
    %swap3A_373 = arith.constant 112 : index
    %swap3A_374 = tpu.vector_load %arg6[%swap3A_372, %swap3A_373] {strides = array<i32>} : memref<16x128xf32, #tpu.memory_space<vmem>>, vector<1x16xf32>,
    %swap3A_375 = vector.shape_cast %swap3A_374 : vector<1x16xf32> to vector<16xf32>
    %swap3A_376 = vector.shape_cast %get3A_41 : vector<16xf32> to vector<1x16xf32>
    tpu.vector_store %arg6[%swap3A_372, %swap3A_373], %swap3A_376 {strides = array<i32>} : memref<16x128xf32, #tpu.memory_space<vmem>>, vector<1x16xf32>,
    %swap3A_377 = arith.constant 8 : i32
    %swap3A_378 = arith.index_cast %swap3A_377 : i32 to index
    %swap3A_379 = arith.constant 0 : index
    %swap3A_380 = tpu.vector_load %arg6[%swap3A_378, %swap3A_379] {strides = array<i32>} : memref<16x128xf32, #tpu.memory_space<vmem>>, vector<1x16xf32>,
    %swap3A_381 = vector.shape_cast %swap3A_380 : vector<1x16xf32> to vector<16xf32>
    %swap3A_382 = vector.shape_cast %get3A_6 : vector<16xf32> to vector<1x16xf32>
    tpu.vector_store %arg6[%swap3A_378, %swap3A_379], %swap3A_382 {strides = array<i32>} : memref<16x128xf32, #tpu.memory_space<vmem>>, vector<1x16xf32>,
    %swap3A_383 = arith.constant 8 : i32
    %swap3A_384 = arith.index_cast %swap3A_383 : i32 to index
    %swap3A_385 = arith.constant 16 : index
    %swap3A_386 = tpu.vector_load %arg6[%swap3A_384, %swap3A_385] {strides = array<i32>} : memref<16x128xf32, #tpu.memory_space<vmem>>, vector<1x16xf32>,
    %swap3A_387 = vector.shape_cast %swap3A_386 : vector<1x16xf32> to vector<16xf32>
    %swap3A_388 = vector.shape_cast %get3A_11 : vector<16xf32> to vector<1x16xf32>
    tpu.vector_store %arg6[%swap3A_384, %swap3A_385], %swap3A_388 {strides = array<i32>} : memref<16x128xf32, #tpu.memory_space<vmem>>, vector<1x16xf32>,
    %swap3A_389 = arith.constant 8 : i32
    %swap3A_390 = arith.index_cast %swap3A_389 : i32 to index
    %swap3A_391 = arith.constant 32 : index
    %swap3A_392 = tpu.vector_load %arg6[%swap3A_390, %swap3A_391] {strides = array<i32>} : memref<16x128xf32, #tpu.memory_space<vmem>>, vector<1x16xf32>,
    %swap3A_393 = vector.shape_cast %swap3A_392 : vector<1x16xf32> to vector<16xf32>
    %swap3A_394 = vector.shape_cast %get3A_16 : vector<16xf32> to vector<1x16xf32>
    tpu.vector_store %arg6[%swap3A_390, %swap3A_391], %swap3A_394 {strides = array<i32>} : memref<16x128xf32, #tpu.memory_space<vmem>>, vector<1x16xf32>,
    %swap3A_395 = arith.constant 8 : i32
    %swap3A_396 = arith.index_cast %swap3A_395 : i32 to index
    %swap3A_397 = arith.constant 48 : index
    %swap3A_398 = tpu.vector_load %arg6[%swap3A_396, %swap3A_397] {strides = array<i32>} : memref<16x128xf32, #tpu.memory_space<vmem>>, vector<1x16xf32>,
    %swap3A_399 = vector.shape_cast %swap3A_398 : vector<1x16xf32> to vector<16xf32>
    %swap3A_400 = vector.shape_cast %get3A_21 : vector<16xf32> to vector<1x16xf32>
    tpu.vector_store %arg6[%swap3A_396, %swap3A_397], %swap3A_400 {strides = array<i32>} : memref<16x128xf32, #tpu.memory_space<vmem>>, vector<1x16xf32>,
    %swap3A_401 = arith.constant 8 : i32
    %swap3A_402 = arith.index_cast %swap3A_401 : i32 to index
    %swap3A_403 = arith.constant 64 : index
    %swap3A_404 = tpu.vector_load %arg6[%swap3A_402, %swap3A_403] {strides = array<i32>} : memref<16x128xf32, #tpu.memory_space<vmem>>, vector<1x16xf32>,
    %swap3A_405 = vector.shape_cast %swap3A_404 : vector<1x16xf32> to vector<16xf32>
    %swap3A_406 = vector.shape_cast %get3A_26 : vector<16xf32> to vector<1x16xf32>
    tpu.vector_store %arg6[%swap3A_402, %swap3A_403], %swap3A_406 {strides = array<i32>} : memref<16x128xf32, #tpu.memory_space<vmem>>, vector<1x16xf32>,
    %swap3A_407 = arith.constant 8 : i32
    %swap3A_408 = arith.index_cast %swap3A_407 : i32 to index
    %swap3A_409 = arith.constant 80 : index
    %swap3A_410 = tpu.vector_load %arg6[%swap3A_408, %swap3A_409] {strides = array<i32>} : memref<16x128xf32, #tpu.memory_space<vmem>>, vector<1x16xf32>,
    %swap3A_411 = vector.shape_cast %swap3A_410 : vector<1x16xf32> to vector<16xf32>
    %swap3A_412 = vector.shape_cast %get3A_31 : vector<16xf32> to vector<1x16xf32>
    tpu.vector_store %arg6[%swap3A_408, %swap3A_409], %swap3A_412 {strides = array<i32>} : memref<16x128xf32, #tpu.memory_space<vmem>>, vector<1x16xf32>,
    %swap3A_413 = arith.constant 8 : i32
    %swap3A_414 = arith.index_cast %swap3A_413 : i32 to index
    %swap3A_415 = arith.constant 96 : index
    %swap3A_416 = tpu.vector_load %arg6[%swap3A_414, %swap3A_415] {strides = array<i32>} : memref<16x128xf32, #tpu.memory_space<vmem>>, vector<1x16xf32>,
    %swap3A_417 = vector.shape_cast %swap3A_416 : vector<1x16xf32> to vector<16xf32>
    %swap3A_418 = vector.shape_cast %get3A_36 : vector<16xf32> to vector<1x16xf32>
    tpu.vector_store %arg6[%swap3A_414, %swap3A_415], %swap3A_418 {strides = array<i32>} : memref<16x128xf32, #tpu.memory_space<vmem>>, vector<1x16xf32>,
    %swap3A_419 = arith.constant 8 : i32
    %swap3A_420 = arith.index_cast %swap3A_419 : i32 to index
    %swap3A_421 = arith.constant 112 : index
    %swap3A_422 = tpu.vector_load %arg6[%swap3A_420, %swap3A_421] {strides = array<i32>} : memref<16x128xf32, #tpu.memory_space<vmem>>, vector<1x16xf32>,
    %swap3A_423 = vector.shape_cast %swap3A_422 : vector<1x16xf32> to vector<16xf32>
    %swap3A_424 = vector.shape_cast %get3A_41 : vector<16xf32> to vector<1x16xf32>
    tpu.vector_store %arg6[%swap3A_420, %swap3A_421], %swap3A_424 {strides = array<i32>} : memref<16x128xf32, #tpu.memory_space<vmem>>, vector<1x16xf32>,
    %swap3A_425 = arith.constant 9 : i32
    %swap3A_426 = arith.index_cast %swap3A_425 : i32 to index
    %swap3A_427 = arith.constant 0 : index
    %swap3A_428 = tpu.vector_load %arg6[%swap3A_426, %swap3A_427] {strides = array<i32>} : memref<16x128xf32, #tpu.memory_space<vmem>>, vector<1x16xf32>,
    %swap3A_429 = vector.shape_cast %swap3A_428 : vector<1x16xf32> to vector<16xf32>
    %swap3A_430 = vector.shape_cast %get3A_6 : vector<16xf32> to vector<1x16xf32>
    tpu.vector_store %arg6[%swap3A_426, %swap3A_427], %swap3A_430 {strides = array<i32>} : memref<16x128xf32, #tpu.memory_space<vmem>>, vector<1x16xf32>,
    %swap3A_431 = arith.constant 9 : i32
    %swap3A_432 = arith.index_cast %swap3A_431 : i32 to index
    %swap3A_433 = arith.constant 16 : index
    %swap3A_434 = tpu.vector_load %arg6[%swap3A_432, %swap3A_433] {strides = array<i32>} : memref<16x128xf32, #tpu.memory_space<vmem>>, vector<1x16xf32>,
    %swap3A_435 = vector.shape_cast %swap3A_434 : vector<1x16xf32> to vector<16xf32>
    %swap3A_436 = vector.shape_cast %get3A_11 : vector<16xf32> to vector<1x16xf32>
    tpu.vector_store %arg6[%swap3A_432, %swap3A_433], %swap3A_436 {strides = array<i32>} : memref<16x128xf32, #tpu.memory_space<vmem>>, vector<1x16xf32>,
    %swap3A_437 = arith.constant 9 : i32
    %swap3A_438 = arith.index_cast %swap3A_437 : i32 to index
    %swap3A_439 = arith.constant 32 : index
    %swap3A_440 = tpu.vector_load %arg6[%swap3A_438, %swap3A_439] {strides = array<i32>} : memref<16x128xf32, #tpu.memory_space<vmem>>, vector<1x16xf32>,
    %swap3A_441 = vector.shape_cast %swap3A_440 : vector<1x16xf32> to vector<16xf32>
    %swap3A_442 = vector.shape_cast %get3A_16 : vector<16xf32> to vector<1x16xf32>
    tpu.vector_store %arg6[%swap3A_438, %swap3A_439], %swap3A_442 {strides = array<i32>} : memref<16x128xf32, #tpu.memory_space<vmem>>, vector<1x16xf32>,
    %swap3A_443 = arith.constant 9 : i32
    %swap3A_444 = arith.index_cast %swap3A_443 : i32 to index
    %swap3A_445 = arith.constant 48 : index
    %swap3A_446 = tpu.vector_load %arg6[%swap3A_444, %swap3A_445] {strides = array<i32>} : memref<16x128xf32, #tpu.memory_space<vmem>>, vector<1x16xf32>,
    %swap3A_447 = vector.shape_cast %swap3A_446 : vector<1x16xf32> to vector<16xf32>
    %swap3A_448 = vector.shape_cast %get3A_21 : vector<16xf32> to vector<1x16xf32>
    tpu.vector_store %arg6[%swap3A_444, %swap3A_445], %swap3A_448 {strides = array<i32>} : memref<16x128xf32, #tpu.memory_space<vmem>>, vector<1x16xf32>,
    %swap3A_449 = arith.constant 9 : i32
    %swap3A_450 = arith.index_cast %swap3A_449 : i32 to index
    %swap3A_451 = arith.constant 64 : index
    %swap3A_452 = tpu.vector_load %arg6[%swap3A_450, %swap3A_451] {strides = array<i32>} : memref<16x128xf32, #tpu.memory_space<vmem>>, vector<1x16xf32>,
    %swap3A_453 = vector.shape_cast %swap3A_452 : vector<1x16xf32> to vector<16xf32>
    %swap3A_454 = vector.shape_cast %get3A_26 : vector<16xf32> to vector<1x16xf32>
    tpu.vector_store %arg6[%swap3A_450, %swap3A_451], %swap3A_454 {strides = array<i32>} : memref<16x128xf32, #tpu.memory_space<vmem>>, vector<1x16xf32>,
    %swap3A_455 = arith.constant 9 : i32
    %swap3A_456 = arith.index_cast %swap3A_455 : i32 to index
    %swap3A_457 = arith.constant 80 : index
    %swap3A_458 = tpu.vector_load %arg6[%swap3A_456, %swap3A_457] {strides = array<i32>} : memref<16x128xf32, #tpu.memory_space<vmem>>, vector<1x16xf32>,
    %swap3A_459 = vector.shape_cast %swap3A_458 : vector<1x16xf32> to vector<16xf32>
    %swap3A_460 = vector.shape_cast %get3A_31 : vector<16xf32> to vector<1x16xf32>
    tpu.vector_store %arg6[%swap3A_456, %swap3A_457], %swap3A_460 {strides = array<i32>} : memref<16x128xf32, #tpu.memory_space<vmem>>, vector<1x16xf32>,
    %swap3A_461 = arith.constant 9 : i32
    %swap3A_462 = arith.index_cast %swap3A_461 : i32 to index
    %swap3A_463 = arith.constant 96 : index
    %swap3A_464 = tpu.vector_load %arg6[%swap3A_462, %swap3A_463] {strides = array<i32>} : memref<16x128xf32, #tpu.memory_space<vmem>>, vector<1x16xf32>,
    %swap3A_465 = vector.shape_cast %swap3A_464 : vector<1x16xf32> to vector<16xf32>
    %swap3A_466 = vector.shape_cast %get3A_36 : vector<16xf32> to vector<1x16xf32>
    tpu.vector_store %arg6[%swap3A_462, %swap3A_463], %swap3A_466 {strides = array<i32>} : memref<16x128xf32, #tpu.memory_space<vmem>>, vector<1x16xf32>,
    %swap3A_467 = arith.constant 9 : i32
    %swap3A_468 = arith.index_cast %swap3A_467 : i32 to index
    %swap3A_469 = arith.constant 112 : index
    %swap3A_470 = tpu.vector_load %arg6[%swap3A_468, %swap3A_469] {strides = array<i32>} : memref<16x128xf32, #tpu.memory_space<vmem>>, vector<1x16xf32>,
    %swap3A_471 = vector.shape_cast %swap3A_470 : vector<1x16xf32> to vector<16xf32>
    %swap3A_472 = vector.shape_cast %get3A_41 : vector<16xf32> to vector<1x16xf32>
    tpu.vector_store %arg6[%swap3A_468, %swap3A_469], %swap3A_472 {strides = array<i32>} : memref<16x128xf32, #tpu.memory_space<vmem>>, vector<1x16xf32>,
    %swap3A_473 = arith.constant 10 : i32
    %swap3A_474 = arith.index_cast %swap3A_473 : i32 to index
    %swap3A_475 = arith.constant 0 : index
    %swap3A_476 = tpu.vector_load %arg6[%swap3A_474, %swap3A_475] {strides = array<i32>} : memref<16x128xf32, #tpu.memory_space<vmem>>, vector<1x16xf32>,
    %swap3A_477 = vector.shape_cast %swap3A_476 : vector<1x16xf32> to vector<16xf32>
    %swap3A_478 = vector.shape_cast %get3A_6 : vector<16xf32> to vector<1x16xf32>
    tpu.vector_store %arg6[%swap3A_474, %swap3A_475], %swap3A_478 {strides = array<i32>} : memref<16x128xf32, #tpu.memory_space<vmem>>, vector<1x16xf32>,
    %swap3A_479 = arith.constant 10 : i32
    %swap3A_480 = arith.index_cast %swap3A_479 : i32 to index
    %swap3A_481 = arith.constant 16 : index
    %swap3A_482 = tpu.vector_load %arg6[%swap3A_480, %swap3A_481] {strides = array<i32>} : memref<16x128xf32, #tpu.memory_space<vmem>>, vector<1x16xf32>,
    %swap3A_483 = vector.shape_cast %swap3A_482 : vector<1x16xf32> to vector<16xf32>
    %swap3A_484 = vector.shape_cast %get3A_11 : vector<16xf32> to vector<1x16xf32>
    tpu.vector_store %arg6[%swap3A_480, %swap3A_481], %swap3A_484 {strides = array<i32>} : memref<16x128xf32, #tpu.memory_space<vmem>>, vector<1x16xf32>,
    %swap3A_485 = arith.constant 10 : i32
    %swap3A_486 = arith.index_cast %swap3A_485 : i32 to index
    %swap3A_487 = arith.constant 32 : index
    %swap3A_488 = tpu.vector_load %arg6[%swap3A_486, %swap3A_487] {strides = array<i32>} : memref<16x128xf32, #tpu.memory_space<vmem>>, vector<1x16xf32>,
    %swap3A_489 = vector.shape_cast %swap3A_488 : vector<1x16xf32> to vector<16xf32>
    %swap3A_490 = vector.shape_cast %get3A_16 : vector<16xf32> to vector<1x16xf32>
    tpu.vector_store %arg6[%swap3A_486, %swap3A_487], %swap3A_490 {strides = array<i32>} : memref<16x128xf32, #tpu.memory_space<vmem>>, vector<1x16xf32>,
    %swap3A_491 = arith.constant 10 : i32
    %swap3A_492 = arith.index_cast %swap3A_491 : i32 to index
    %swap3A_493 = arith.constant 48 : index
    %swap3A_494 = tpu.vector_load %arg6[%swap3A_492, %swap3A_493] {strides = array<i32>} : memref<16x128xf32, #tpu.memory_space<vmem>>, vector<1x16xf32>,
    %swap3A_495 = vector.shape_cast %swap3A_494 : vector<1x16xf32> to vector<16xf32>
    %swap3A_496 = vector.shape_cast %get3A_21 : vector<16xf32> to vector<1x16xf32>
    tpu.vector_store %arg6[%swap3A_492, %swap3A_493], %swap3A_496 {strides = array<i32>} : memref<16x128xf32, #tpu.memory_space<vmem>>, vector<1x16xf32>,
    %swap3A_497 = arith.constant 10 : i32
    %swap3A_498 = arith.index_cast %swap3A_497 : i32 to index
    %swap3A_499 = arith.constant 64 : index
    %swap3A_500 = tpu.vector_load %arg6[%swap3A_498, %swap3A_499] {strides = array<i32>} : memref<16x128xf32, #tpu.memory_space<vmem>>, vector<1x16xf32>,
    %swap3A_501 = vector.shape_cast %swap3A_500 : vector<1x16xf32> to vector<16xf32>
    %swap3A_502 = vector.shape_cast %get3A_26 : vector<16xf32> to vector<1x16xf32>
    tpu.vector_store %arg6[%swap3A_498, %swap3A_499], %swap3A_502 {strides = array<i32>} : memref<16x128xf32, #tpu.memory_space<vmem>>, vector<1x16xf32>,
    %swap3A_503 = arith.constant 10 : i32
    %swap3A_504 = arith.index_cast %swap3A_503 : i32 to index
    %swap3A_505 = arith.constant 80 : index
    %swap3A_506 = tpu.vector_load %arg6[%swap3A_504, %swap3A_505] {strides = array<i32>} : memref<16x128xf32, #tpu.memory_space<vmem>>, vector<1x16xf32>,
    %swap3A_507 = vector.shape_cast %swap3A_506 : vector<1x16xf32> to vector<16xf32>
    %swap3A_508 = vector.shape_cast %get3A_31 : vector<16xf32> to vector<1x16xf32>
    tpu.vector_store %arg6[%swap3A_504, %swap3A_505], %swap3A_508 {strides = array<i32>} : memref<16x128xf32, #tpu.memory_space<vmem>>, vector<1x16xf32>,
    %swap3A_509 = arith.constant 10 : i32
    %swap3A_510 = arith.index_cast %swap3A_509 : i32 to index
    %swap3A_511 = arith.constant 96 : index
    %swap3A_512 = tpu.vector_load %arg6[%swap3A_510, %swap3A_511] {strides = array<i32>} : memref<16x128xf32, #tpu.memory_space<vmem>>, vector<1x16xf32>,
    %swap3A_513 = vector.shape_cast %swap3A_512 : vector<1x16xf32> to vector<16xf32>
    %swap3A_514 = vector.shape_cast %get3A_36 : vector<16xf32> to vector<1x16xf32>
    tpu.vector_store %arg6[%swap3A_510, %swap3A_511], %swap3A_514 {strides = array<i32>} : memref<16x128xf32, #tpu.memory_space<vmem>>, vector<1x16xf32>,
    %swap3A_515 = arith.constant 10 : i32
    %swap3A_516 = arith.index_cast %swap3A_515 : i32 to index
    %swap3A_517 = arith.constant 112 : index
    %swap3A_518 = tpu.vector_load %arg6[%swap3A_516, %swap3A_517] {strides = array<i32>} : memref<16x128xf32, #tpu.memory_space<vmem>>, vector<1x16xf32>,
    %swap3A_519 = vector.shape_cast %swap3A_518 : vector<1x16xf32> to vector<16xf32>
    %swap3A_520 = vector.shape_cast %get3A_41 : vector<16xf32> to vector<1x16xf32>
    tpu.vector_store %arg6[%swap3A_516, %swap3A_517], %swap3A_520 {strides = array<i32>} : memref<16x128xf32, #tpu.memory_space<vmem>>, vector<1x16xf32>,
    %swap3A_521 = arith.constant 11 : i32
    %swap3A_522 = arith.index_cast %swap3A_521 : i32 to index
    %swap3A_523 = arith.constant 0 : index
    %swap3A_524 = tpu.vector_load %arg6[%swap3A_522, %swap3A_523] {strides = array<i32>} : memref<16x128xf32, #tpu.memory_space<vmem>>, vector<1x16xf32>,
    %swap3A_525 = vector.shape_cast %swap3A_524 : vector<1x16xf32> to vector<16xf32>
    %swap3A_526 = vector.shape_cast %get3A_6 : vector<16xf32> to vector<1x16xf32>
    tpu.vector_store %arg6[%swap3A_522, %swap3A_523], %swap3A_526 {strides = array<i32>} : memref<16x128xf32, #tpu.memory_space<vmem>>, vector<1x16xf32>,
    %swap3A_527 = arith.constant 11 : i32
    %swap3A_528 = arith.index_cast %swap3A_527 : i32 to index
    %swap3A_529 = arith.constant 16 : index
    %swap3A_530 = tpu.vector_load %arg6[%swap3A_528, %swap3A_529] {strides = array<i32>} : memref<16x128xf32, #tpu.memory_space<vmem>>, vector<1x16xf32>,
    %swap3A_531 = vector.shape_cast %swap3A_530 : vector<1x16xf32> to vector<16xf32>
    %swap3A_532 = vector.shape_cast %get3A_11 : vector<16xf32> to vector<1x16xf32>
    tpu.vector_store %arg6[%swap3A_528, %swap3A_529], %swap3A_532 {strides = array<i32>} : memref<16x128xf32, #tpu.memory_space<vmem>>, vector<1x16xf32>,
    %swap3A_533 = arith.constant 11 : i32
    %swap3A_534 = arith.index_cast %swap3A_533 : i32 to index
    %swap3A_535 = arith.constant 32 : index
    %swap3A_536 = tpu.vector_load %arg6[%swap3A_534, %swap3A_535] {strides = array<i32>} : memref<16x128xf32, #tpu.memory_space<vmem>>, vector<1x16xf32>,
    %swap3A_537 = vector.shape_cast %swap3A_536 : vector<1x16xf32> to vector<16xf32>
    %swap3A_538 = vector.shape_cast %get3A_16 : vector<16xf32> to vector<1x16xf32>
    tpu.vector_store %arg6[%swap3A_534, %swap3A_535], %swap3A_538 {strides = array<i32>} : memref<16x128xf32, #tpu.memory_space<vmem>>, vector<1x16xf32>,
    %swap3A_539 = arith.constant 11 : i32
    %swap3A_540 = arith.index_cast %swap3A_539 : i32 to index
    %swap3A_541 = arith.constant 48 : index
    %swap3A_542 = tpu.vector_load %arg6[%swap3A_540, %swap3A_541] {strides = array<i32>} : memref<16x128xf32, #tpu.memory_space<vmem>>, vector<1x16xf32>,
    %swap3A_543 = vector.shape_cast %swap3A_542 : vector<1x16xf32> to vector<16xf32>
    %swap3A_544 = vector.shape_cast %get3A_21 : vector<16xf32> to vector<1x16xf32>
    tpu.vector_store %arg6[%swap3A_540, %swap3A_541], %swap3A_544 {strides = array<i32>} : memref<16x128xf32, #tpu.memory_space<vmem>>, vector<1x16xf32>,
    %swap3A_545 = arith.constant 11 : i32
    %swap3A_546 = arith.index_cast %swap3A_545 : i32 to index
    %swap3A_547 = arith.constant 64 : index
    %swap3A_548 = tpu.vector_load %arg6[%swap3A_546, %swap3A_547] {strides = array<i32>} : memref<16x128xf32, #tpu.memory_space<vmem>>, vector<1x16xf32>,
    %swap3A_549 = vector.shape_cast %swap3A_548 : vector<1x16xf32> to vector<16xf32>
    %swap3A_550 = vector.shape_cast %get3A_26 : vector<16xf32> to vector<1x16xf32>
    tpu.vector_store %arg6[%swap3A_546, %swap3A_547], %swap3A_550 {strides = array<i32>} : memref<16x128xf32, #tpu.memory_space<vmem>>, vector<1x16xf32>,
    %swap3A_551 = arith.constant 11 : i32
    %swap3A_552 = arith.index_cast %swap3A_551 : i32 to index
    %swap3A_553 = arith.constant 80 : index
    %swap3A_554 = tpu.vector_load %arg6[%swap3A_552, %swap3A_553] {strides = array<i32>} : memref<16x128xf32, #tpu.memory_space<vmem>>, vector<1x16xf32>,
    %swap3A_555 = vector.shape_cast %swap3A_554 : vector<1x16xf32> to vector<16xf32>
    %swap3A_556 = vector.shape_cast %get3A_31 : vector<16xf32> to vector<1x16xf32>
    tpu.vector_store %arg6[%swap3A_552, %swap3A_553], %swap3A_556 {strides = array<i32>} : memref<16x128xf32, #tpu.memory_space<vmem>>, vector<1x16xf32>,
    %swap3A_557 = arith.constant 11 : i32
    %swap3A_558 = arith.index_cast %swap3A_557 : i32 to index
    %swap3A_559 = arith.constant 96 : index
    %swap3A_560 = tpu.vector_load %arg6[%swap3A_558, %swap3A_559] {strides = array<i32>} : memref<16x128xf32, #tpu.memory_space<vmem>>, vector<1x16xf32>,
    %swap3A_561 = vector.shape_cast %swap3A_560 : vector<1x16xf32> to vector<16xf32>
    %swap3A_562 = vector.shape_cast %get3A_36 : vector<16xf32> to vector<1x16xf32>
    tpu.vector_store %arg6[%swap3A_558, %swap3A_559], %swap3A_562 {strides = array<i32>} : memref<16x128xf32, #tpu.memory_space<vmem>>, vector<1x16xf32>,
    %swap3A_563 = arith.constant 11 : i32
    %swap3A_564 = arith.index_cast %swap3A_563 : i32 to index
    %swap3A_565 = arith.constant 112 : index
    %swap3A_566 = tpu.vector_load %arg6[%swap3A_564, %swap3A_565] {strides = array<i32>} : memref<16x128xf32, #tpu.memory_space<vmem>>, vector<1x16xf32>,
    %swap3A_567 = vector.shape_cast %swap3A_566 : vector<1x16xf32> to vector<16xf32>
    %swap3A_568 = vector.shape_cast %get3A_41 : vector<16xf32> to vector<1x16xf32>
    tpu.vector_store %arg6[%swap3A_564, %swap3A_565], %swap3A_568 {strides = array<i32>} : memref<16x128xf32, #tpu.memory_space<vmem>>, vector<1x16xf32>,
    %swap3A_569 = arith.constant 12 : i32
    %swap3A_570 = arith.index_cast %swap3A_569 : i32 to index
    %swap3A_571 = arith.constant 0 : index
    %swap3A_572 = tpu.vector_load %arg6[%swap3A_570, %swap3A_571] {strides = array<i32>} : memref<16x128xf32, #tpu.memory_space<vmem>>, vector<1x16xf32>,
    %swap3A_573 = vector.shape_cast %swap3A_572 : vector<1x16xf32> to vector<16xf32>
    %swap3A_574 = vector.shape_cast %get3A_6 : vector<16xf32> to vector<1x16xf32>
    tpu.vector_store %arg6[%swap3A_570, %swap3A_571], %swap3A_574 {strides = array<i32>} : memref<16x128xf32, #tpu.memory_space<vmem>>, vector<1x16xf32>,
    %swap3A_575 = arith.constant 12 : i32
    %swap3A_576 = arith.index_cast %swap3A_575 : i32 to index
    %swap3A_577 = arith.constant 16 : index
    %swap3A_578 = tpu.vector_load %arg6[%swap3A_576, %swap3A_577] {strides = array<i32>} : memref<16x128xf32, #tpu.memory_space<vmem>>, vector<1x16xf32>,
    %swap3A_579 = vector.shape_cast %swap3A_578 : vector<1x16xf32> to vector<16xf32>
    %swap3A_580 = vector.shape_cast %get3A_11 : vector<16xf32> to vector<1x16xf32>
    tpu.vector_store %arg6[%swap3A_576, %swap3A_577], %swap3A_580 {strides = array<i32>} : memref<16x128xf32, #tpu.memory_space<vmem>>, vector<1x16xf32>,
    %swap3A_581 = arith.constant 12 : i32
    %swap3A_582 = arith.index_cast %swap3A_581 : i32 to index
    %swap3A_583 = arith.constant 32 : index
    %swap3A_584 = tpu.vector_load %arg6[%swap3A_582, %swap3A_583] {strides = array<i32>} : memref<16x128xf32, #tpu.memory_space<vmem>>, vector<1x16xf32>,
    %swap3A_585 = vector.shape_cast %swap3A_584 : vector<1x16xf32> to vector<16xf32>
    %swap3A_586 = vector.shape_cast %get3A_16 : vector<16xf32> to vector<1x16xf32>
    tpu.vector_store %arg6[%swap3A_582, %swap3A_583], %swap3A_586 {strides = array<i32>} : memref<16x128xf32, #tpu.memory_space<vmem>>, vector<1x16xf32>,
    %swap3A_587 = arith.constant 12 : i32
    %swap3A_588 = arith.index_cast %swap3A_587 : i32 to index
    %swap3A_589 = arith.constant 48 : index
    %swap3A_590 = tpu.vector_load %arg6[%swap3A_588, %swap3A_589] {strides = array<i32>} : memref<16x128xf32, #tpu.memory_space<vmem>>, vector<1x16xf32>,
    %swap3A_591 = vector.shape_cast %swap3A_590 : vector<1x16xf32> to vector<16xf32>
    %swap3A_592 = vector.shape_cast %get3A_21 : vector<16xf32> to vector<1x16xf32>
    tpu.vector_store %arg6[%swap3A_588, %swap3A_589], %swap3A_592 {strides = array<i32>} : memref<16x128xf32, #tpu.memory_space<vmem>>, vector<1x16xf32>,
    %swap3A_593 = arith.constant 12 : i32
    %swap3A_594 = arith.index_cast %swap3A_593 : i32 to index
    %swap3A_595 = arith.constant 64 : index
    %swap3A_596 = tpu.vector_load %arg6[%swap3A_594, %swap3A_595] {strides = array<i32>} : memref<16x128xf32, #tpu.memory_space<vmem>>, vector<1x16xf32>,
    %swap3A_597 = vector.shape_cast %swap3A_596 : vector<1x16xf32> to vector<16xf32>
    %swap3A_598 = vector.shape_cast %get3A_26 : vector<16xf32> to vector<1x16xf32>
    tpu.vector_store %arg6[%swap3A_594, %swap3A_595], %swap3A_598 {strides = array<i32>} : memref<16x128xf32, #tpu.memory_space<vmem>>, vector<1x16xf32>,
    %swap3A_599 = arith.constant 12 : i32
    %swap3A_600 = arith.index_cast %swap3A_599 : i32 to index
    %swap3A_601 = arith.constant 80 : index
    %swap3A_602 = tpu.vector_load %arg6[%swap3A_600, %swap3A_601] {strides = array<i32>} : memref<16x128xf32, #tpu.memory_space<vmem>>, vector<1x16xf32>,
    %swap3A_603 = vector.shape_cast %swap3A_602 : vector<1x16xf32> to vector<16xf32>
    %swap3A_604 = vector.shape_cast %get3A_31 : vector<16xf32> to vector<1x16xf32>
    tpu.vector_store %arg6[%swap3A_600, %swap3A_601], %swap3A_604 {strides = array<i32>} : memref<16x128xf32, #tpu.memory_space<vmem>>, vector<1x16xf32>,
    %swap3A_605 = arith.constant 12 : i32
    %swap3A_606 = arith.index_cast %swap3A_605 : i32 to index
    %swap3A_607 = arith.constant 96 : index
    %swap3A_608 = tpu.vector_load %arg6[%swap3A_606, %swap3A_607] {strides = array<i32>} : memref<16x128xf32, #tpu.memory_space<vmem>>, vector<1x16xf32>,
    %swap3A_609 = vector.shape_cast %swap3A_608 : vector<1x16xf32> to vector<16xf32>
    %swap3A_610 = vector.shape_cast %get3A_36 : vector<16xf32> to vector<1x16xf32>
    tpu.vector_store %arg6[%swap3A_606, %swap3A_607], %swap3A_610 {strides = array<i32>} : memref<16x128xf32, #tpu.memory_space<vmem>>, vector<1x16xf32>,
    %swap3A_611 = arith.constant 12 : i32
    %swap3A_612 = arith.index_cast %swap3A_611 : i32 to index
    %swap3A_613 = arith.constant 112 : index
    %swap3A_614 = tpu.vector_load %arg6[%swap3A_612, %swap3A_613] {strides = array<i32>} : memref<16x128xf32, #tpu.memory_space<vmem>>, vector<1x16xf32>,
    %swap3A_615 = vector.shape_cast %swap3A_614 : vector<1x16xf32> to vector<16xf32>
    %swap3A_616 = vector.shape_cast %get3A_41 : vector<16xf32> to vector<1x16xf32>
    tpu.vector_store %arg6[%swap3A_612, %swap3A_613], %swap3A_616 {strides = array<i32>} : memref<16x128xf32, #tpu.memory_space<vmem>>, vector<1x16xf32>,
    %swap3A_617 = arith.constant 13 : i32
    %swap3A_618 = arith.index_cast %swap3A_617 : i32 to index
    %swap3A_619 = arith.constant 0 : index
    %swap3A_620 = tpu.vector_load %arg6[%swap3A_618, %swap3A_619] {strides = array<i32>} : memref<16x128xf32, #tpu.memory_space<vmem>>, vector<1x16xf32>,
    %swap3A_621 = vector.shape_cast %swap3A_620 : vector<1x16xf32> to vector<16xf32>
    %swap3A_622 = vector.shape_cast %get3A_6 : vector<16xf32> to vector<1x16xf32>
    tpu.vector_store %arg6[%swap3A_618, %swap3A_619], %swap3A_622 {strides = array<i32>} : memref<16x128xf32, #tpu.memory_space<vmem>>, vector<1x16xf32>,
    %swap3A_623 = arith.constant 13 : i32
    %swap3A_624 = arith.index_cast %swap3A_623 : i32 to index
    %swap3A_625 = arith.constant 16 : index
    %swap3A_626 = tpu.vector_load %arg6[%swap3A_624, %swap3A_625] {strides = array<i32>} : memref<16x128xf32, #tpu.memory_space<vmem>>, vector<1x16xf32>,
    %swap3A_627 = vector.shape_cast %swap3A_626 : vector<1x16xf32> to vector<16xf32>
    %swap3A_628 = vector.shape_cast %get3A_11 : vector<16xf32> to vector<1x16xf32>
    tpu.vector_store %arg6[%swap3A_624, %swap3A_625], %swap3A_628 {strides = array<i32>} : memref<16x128xf32, #tpu.memory_space<vmem>>, vector<1x16xf32>,
    %swap3A_629 = arith.constant 13 : i32
    %swap3A_630 = arith.index_cast %swap3A_629 : i32 to index
    %swap3A_631 = arith.constant 32 : index
    %swap3A_632 = tpu.vector_load %arg6[%swap3A_630, %swap3A_631] {strides = array<i32>} : memref<16x128xf32, #tpu.memory_space<vmem>>, vector<1x16xf32>,
    %swap3A_633 = vector.shape_cast %swap3A_632 : vector<1x16xf32> to vector<16xf32>
    %swap3A_634 = vector.shape_cast %get3A_16 : vector<16xf32> to vector<1x16xf32>
    tpu.vector_store %arg6[%swap3A_630, %swap3A_631], %swap3A_634 {strides = array<i32>} : memref<16x128xf32, #tpu.memory_space<vmem>>, vector<1x16xf32>,
    %swap3A_635 = arith.constant 13 : i32
    %swap3A_636 = arith.index_cast %swap3A_635 : i32 to index
    %swap3A_637 = arith.constant 48 : index
    %swap3A_638 = tpu.vector_load %arg6[%swap3A_636, %swap3A_637] {strides = array<i32>} : memref<16x128xf32, #tpu.memory_space<vmem>>, vector<1x16xf32>,
    %swap3A_639 = vector.shape_cast %swap3A_638 : vector<1x16xf32> to vector<16xf32>
    %swap3A_640 = vector.shape_cast %get3A_21 : vector<16xf32> to vector<1x16xf32>
    tpu.vector_store %arg6[%swap3A_636, %swap3A_637], %swap3A_640 {strides = array<i32>} : memref<16x128xf32, #tpu.memory_space<vmem>>, vector<1x16xf32>,
    %swap3A_641 = arith.constant 13 : i32
    %swap3A_642 = arith.index_cast %swap3A_641 : i32 to index
    %swap3A_643 = arith.constant 64 : index
    %swap3A_644 = tpu.vector_load %arg6[%swap3A_642, %swap3A_643] {strides = array<i32>} : memref<16x128xf32, #tpu.memory_space<vmem>>, vector<1x16xf32>,
    %swap3A_645 = vector.shape_cast %swap3A_644 : vector<1x16xf32> to vector<16xf32>
    %swap3A_646 = vector.shape_cast %get3A_26 : vector<16xf32> to vector<1x16xf32>
    tpu.vector_store %arg6[%swap3A_642, %swap3A_643], %swap3A_646 {strides = array<i32>} : memref<16x128xf32, #tpu.memory_space<vmem>>, vector<1x16xf32>,
    %swap3A_647 = arith.constant 13 : i32
    %swap3A_648 = arith.index_cast %swap3A_647 : i32 to index
    %swap3A_649 = arith.constant 80 : index
    %swap3A_650 = tpu.vector_load %arg6[%swap3A_648, %swap3A_649] {strides = array<i32>} : memref<16x128xf32, #tpu.memory_space<vmem>>, vector<1x16xf32>,
    %swap3A_651 = vector.shape_cast %swap3A_650 : vector<1x16xf32> to vector<16xf32>
    %swap3A_652 = vector.shape_cast %get3A_31 : vector<16xf32> to vector<1x16xf32>
    tpu.vector_store %arg6[%swap3A_648, %swap3A_649], %swap3A_652 {strides = array<i32>} : memref<16x128xf32, #tpu.memory_space<vmem>>, vector<1x16xf32>,
    %swap3A_653 = arith.constant 13 : i32
    %swap3A_654 = arith.index_cast %swap3A_653 : i32 to index
    %swap3A_655 = arith.constant 96 : index
    %swap3A_656 = tpu.vector_load %arg6[%swap3A_654, %swap3A_655] {strides = array<i32>} : memref<16x128xf32, #tpu.memory_space<vmem>>, vector<1x16xf32>,
    %swap3A_657 = vector.shape_cast %swap3A_656 : vector<1x16xf32> to vector<16xf32>
    %swap3A_658 = vector.shape_cast %get3A_36 : vector<16xf32> to vector<1x16xf32>
    tpu.vector_store %arg6[%swap3A_654, %swap3A_655], %swap3A_658 {strides = array<i32>} : memref<16x128xf32, #tpu.memory_space<vmem>>, vector<1x16xf32>,
    %swap3A_659 = arith.constant 13 : i32
    %swap3A_660 = arith.index_cast %swap3A_659 : i32 to index
    %swap3A_661 = arith.constant 112 : index
    %swap3A_662 = tpu.vector_load %arg6[%swap3A_660, %swap3A_661] {strides = array<i32>} : memref<16x128xf32, #tpu.memory_space<vmem>>, vector<1x16xf32>,
    %swap3A_663 = vector.shape_cast %swap3A_662 : vector<1x16xf32> to vector<16xf32>
    %swap3A_664 = vector.shape_cast %get3A_41 : vector<16xf32> to vector<1x16xf32>
    tpu.vector_store %arg6[%swap3A_660, %swap3A_661], %swap3A_664 {strides = array<i32>} : memref<16x128xf32, #tpu.memory_space<vmem>>, vector<1x16xf32>,
    %swap3A_665 = arith.constant 14 : i32
    %swap3A_666 = arith.index_cast %swap3A_665 : i32 to index
    %swap3A_667 = arith.constant 0 : index
    %swap3A_668 = tpu.vector_load %arg6[%swap3A_666, %swap3A_667] {strides = array<i32>} : memref<16x128xf32, #tpu.memory_space<vmem>>, vector<1x16xf32>,
    %swap3A_669 = vector.shape_cast %swap3A_668 : vector<1x16xf32> to vector<16xf32>
    %swap3A_670 = vector.shape_cast %get3A_6 : vector<16xf32> to vector<1x16xf32>
    tpu.vector_store %arg6[%swap3A_666, %swap3A_667], %swap3A_670 {strides = array<i32>} : memref<16x128xf32, #tpu.memory_space<vmem>>, vector<1x16xf32>,
    %swap3A_671 = arith.constant 14 : i32
    %swap3A_672 = arith.index_cast %swap3A_671 : i32 to index
    %swap3A_673 = arith.constant 16 : index
    %swap3A_674 = tpu.vector_load %arg6[%swap3A_672, %swap3A_673] {strides = array<i32>} : memref<16x128xf32, #tpu.memory_space<vmem>>, vector<1x16xf32>,
    %swap3A_675 = vector.shape_cast %swap3A_674 : vector<1x16xf32> to vector<16xf32>
    %swap3A_676 = vector.shape_cast %get3A_11 : vector<16xf32> to vector<1x16xf32>
    tpu.vector_store %arg6[%swap3A_672, %swap3A_673], %swap3A_676 {strides = array<i32>} : memref<16x128xf32, #tpu.memory_space<vmem>>, vector<1x16xf32>,
    %swap3A_677 = arith.constant 14 : i32
    %swap3A_678 = arith.index_cast %swap3A_677 : i32 to index
    %swap3A_679 = arith.constant 32 : index
    %swap3A_680 = tpu.vector_load %arg6[%swap3A_678, %swap3A_679] {strides = array<i32>} : memref<16x128xf32, #tpu.memory_space<vmem>>, vector<1x16xf32>,
    %swap3A_681 = vector.shape_cast %swap3A_680 : vector<1x16xf32> to vector<16xf32>
    %swap3A_682 = vector.shape_cast %get3A_16 : vector<16xf32> to vector<1x16xf32>
    tpu.vector_store %arg6[%swap3A_678, %swap3A_679], %swap3A_682 {strides = array<i32>} : memref<16x128xf32, #tpu.memory_space<vmem>>, vector<1x16xf32>,
    %swap3A_683 = arith.constant 14 : i32
    %swap3A_684 = arith.index_cast %swap3A_683 : i32 to index
    %swap3A_685 = arith.constant 48 : index
    %swap3A_686 = tpu.vector_load %arg6[%swap3A_684, %swap3A_685] {strides = array<i32>} : memref<16x128xf32, #tpu.memory_space<vmem>>, vector<1x16xf32>,
    %swap3A_687 = vector.shape_cast %swap3A_686 : vector<1x16xf32> to vector<16xf32>
    %swap3A_688 = vector.shape_cast %get3A_21 : vector<16xf32> to vector<1x16xf32>
    tpu.vector_store %arg6[%swap3A_684, %swap3A_685], %swap3A_688 {strides = array<i32>} : memref<16x128xf32, #tpu.memory_space<vmem>>, vector<1x16xf32>,
    %swap3A_689 = arith.constant 14 : i32
    %swap3A_690 = arith.index_cast %swap3A_689 : i32 to index
    %swap3A_691 = arith.constant 64 : index
    %swap3A_692 = tpu.vector_load %arg6[%swap3A_690, %swap3A_691] {strides = array<i32>} : memref<16x128xf32, #tpu.memory_space<vmem>>, vector<1x16xf32>,
    %swap3A_693 = vector.shape_cast %swap3A_692 : vector<1x16xf32> to vector<16xf32>
    %swap3A_694 = vector.shape_cast %get3A_26 : vector<16xf32> to vector<1x16xf32>
    tpu.vector_store %arg6[%swap3A_690, %swap3A_691], %swap3A_694 {strides = array<i32>} : memref<16x128xf32, #tpu.memory_space<vmem>>, vector<1x16xf32>,
    %swap3A_695 = arith.constant 14 : i32
    %swap3A_696 = arith.index_cast %swap3A_695 : i32 to index
    %swap3A_697 = arith.constant 80 : index
    %swap3A_698 = tpu.vector_load %arg6[%swap3A_696, %swap3A_697] {strides = array<i32>} : memref<16x128xf32, #tpu.memory_space<vmem>>, vector<1x16xf32>,
    %swap3A_699 = vector.shape_cast %swap3A_698 : vector<1x16xf32> to vector<16xf32>
    %swap3A_700 = vector.shape_cast %get3A_31 : vector<16xf32> to vector<1x16xf32>
    tpu.vector_store %arg6[%swap3A_696, %swap3A_697], %swap3A_700 {strides = array<i32>} : memref<16x128xf32, #tpu.memory_space<vmem>>, vector<1x16xf32>,
    %swap3A_701 = arith.constant 14 : i32
    %swap3A_702 = arith.index_cast %swap3A_701 : i32 to index
    %swap3A_703 = arith.constant 96 : index
    %swap3A_704 = tpu.vector_load %arg6[%swap3A_702, %swap3A_703] {strides = array<i32>} : memref<16x128xf32, #tpu.memory_space<vmem>>, vector<1x16xf32>,
    %swap3A_705 = vector.shape_cast %swap3A_704 : vector<1x16xf32> to vector<16xf32>
    %swap3A_706 = vector.shape_cast %get3A_36 : vector<16xf32> to vector<1x16xf32>
    tpu.vector_store %arg6[%swap3A_702, %swap3A_703], %swap3A_706 {strides = array<i32>} : memref<16x128xf32, #tpu.memory_space<vmem>>, vector<1x16xf32>,
    %swap3A_707 = arith.constant 14 : i32
    %swap3A_708 = arith.index_cast %swap3A_707 : i32 to index
    %swap3A_709 = arith.constant 112 : index
    %swap3A_710 = tpu.vector_load %arg6[%swap3A_708, %swap3A_709] {strides = array<i32>} : memref<16x128xf32, #tpu.memory_space<vmem>>, vector<1x16xf32>,
    %swap3A_711 = vector.shape_cast %swap3A_710 : vector<1x16xf32> to vector<16xf32>
    %swap3A_712 = vector.shape_cast %get3A_41 : vector<16xf32> to vector<1x16xf32>
    tpu.vector_store %arg6[%swap3A_708, %swap3A_709], %swap3A_712 {strides = array<i32>} : memref<16x128xf32, #tpu.memory_space<vmem>>, vector<1x16xf32>,
    %swap3A_713 = arith.constant 15 : i32
    %swap3A_714 = arith.index_cast %swap3A_713 : i32 to index
    %swap3A_715 = arith.constant 0 : index
    %swap3A_716 = tpu.vector_load %arg6[%swap3A_714, %swap3A_715] {strides = array<i32>} : memref<16x128xf32, #tpu.memory_space<vmem>>, vector<1x16xf32>,
    %swap3A_717 = vector.shape_cast %swap3A_716 : vector<1x16xf32> to vector<16xf32>
    %swap3A_718 = vector.shape_cast %get3A_6 : vector<16xf32> to vector<1x16xf32>
    tpu.vector_store %arg6[%swap3A_714, %swap3A_715], %swap3A_718 {strides = array<i32>} : memref<16x128xf32, #tpu.memory_space<vmem>>, vector<1x16xf32>,
    %swap3A_719 = arith.constant 15 : i32
    %swap3A_720 = arith.index_cast %swap3A_719 : i32 to index
    %swap3A_721 = arith.constant 16 : index
    %swap3A_722 = tpu.vector_load %arg6[%swap3A_720, %swap3A_721] {strides = array<i32>} : memref<16x128xf32, #tpu.memory_space<vmem>>, vector<1x16xf32>,
    %swap3A_723 = vector.shape_cast %swap3A_722 : vector<1x16xf32> to vector<16xf32>
    %swap3A_724 = vector.shape_cast %get3A_11 : vector<16xf32> to vector<1x16xf32>
    tpu.vector_store %arg6[%swap3A_720, %swap3A_721], %swap3A_724 {strides = array<i32>} : memref<16x128xf32, #tpu.memory_space<vmem>>, vector<1x16xf32>,
    %swap3A_725 = arith.constant 15 : i32
    %swap3A_726 = arith.index_cast %swap3A_725 : i32 to index
    %swap3A_727 = arith.constant 32 : index
    %swap3A_728 = tpu.vector_load %arg6[%swap3A_726, %swap3A_727] {strides = array<i32>} : memref<16x128xf32, #tpu.memory_space<vmem>>, vector<1x16xf32>,
    %swap3A_729 = vector.shape_cast %swap3A_728 : vector<1x16xf32> to vector<16xf32>
    %swap3A_730 = vector.shape_cast %get3A_16 : vector<16xf32> to vector<1x16xf32>
    tpu.vector_store %arg6[%swap3A_726, %swap3A_727], %swap3A_730 {strides = array<i32>} : memref<16x128xf32, #tpu.memory_space<vmem>>, vector<1x16xf32>,
    %swap3A_731 = arith.constant 15 : i32
    %swap3A_732 = arith.index_cast %swap3A_731 : i32 to index
    %swap3A_733 = arith.constant 48 : index
    %swap3A_734 = tpu.vector_load %arg6[%swap3A_732, %swap3A_733] {strides = array<i32>} : memref<16x128xf32, #tpu.memory_space<vmem>>, vector<1x16xf32>,
    %swap3A_735 = vector.shape_cast %swap3A_734 : vector<1x16xf32> to vector<16xf32>
    %swap3A_736 = vector.shape_cast %get3A_21 : vector<16xf32> to vector<1x16xf32>
    tpu.vector_store %arg6[%swap3A_732, %swap3A_733], %swap3A_736 {strides = array<i32>} : memref<16x128xf32, #tpu.memory_space<vmem>>, vector<1x16xf32>,
    %swap3A_737 = arith.constant 15 : i32
    %swap3A_738 = arith.index_cast %swap3A_737 : i32 to index
    %swap3A_739 = arith.constant 64 : index
    %swap3A_740 = tpu.vector_load %arg6[%swap3A_738, %swap3A_739] {strides = array<i32>} : memref<16x128xf32, #tpu.memory_space<vmem>>, vector<1x16xf32>,
    %swap3A_741 = vector.shape_cast %swap3A_740 : vector<1x16xf32> to vector<16xf32>
    %swap3A_742 = vector.shape_cast %get3A_26 : vector<16xf32> to vector<1x16xf32>
    tpu.vector_store %arg6[%swap3A_738, %swap3A_739], %swap3A_742 {strides = array<i32>} : memref<16x128xf32, #tpu.memory_space<vmem>>, vector<1x16xf32>,
    %swap3A_743 = arith.constant 15 : i32
    %swap3A_744 = arith.index_cast %swap3A_743 : i32 to index
    %swap3A_745 = arith.constant 80 : index
    %swap3A_746 = tpu.vector_load %arg6[%swap3A_744, %swap3A_745] {strides = array<i32>} : memref<16x128xf32, #tpu.memory_space<vmem>>, vector<1x16xf32>,
    %swap3A_747 = vector.shape_cast %swap3A_746 : vector<1x16xf32> to vector<16xf32>
    %swap3A_748 = vector.shape_cast %get3A_31 : vector<16xf32> to vector<1x16xf32>
    tpu.vector_store %arg6[%swap3A_744, %swap3A_745], %swap3A_748 {strides = array<i32>} : memref<16x128xf32, #tpu.memory_space<vmem>>, vector<1x16xf32>,
    %swap3A_749 = arith.constant 15 : i32
    %swap3A_750 = arith.index_cast %swap3A_749 : i32 to index
    %swap3A_751 = arith.constant 96 : index
    %swap3A_752 = tpu.vector_load %arg6[%swap3A_750, %swap3A_751] {strides = array<i32>} : memref<16x128xf32, #tpu.memory_space<vmem>>, vector<1x16xf32>,
    %swap3A_753 = vector.shape_cast %swap3A_752 : vector<1x16xf32> to vector<16xf32>
    %swap3A_754 = vector.shape_cast %get3A_36 : vector<16xf32> to vector<1x16xf32>
    tpu.vector_store %arg6[%swap3A_750, %swap3A_751], %swap3A_754 {strides = array<i32>} : memref<16x128xf32, #tpu.memory_space<vmem>>, vector<1x16xf32>,
    %swap3A_755 = arith.constant 15 : i32
    %swap3A_756 = arith.index_cast %swap3A_755 : i32 to index
    %swap3A_757 = arith.constant 112 : index
    %swap3A_758 = tpu.vector_load %arg6[%swap3A_756, %swap3A_757] {strides = array<i32>} : memref<16x128xf32, #tpu.memory_space<vmem>>, vector<1x16xf32>,
    %swap3A_759 = vector.shape_cast %swap3A_758 : vector<1x16xf32> to vector<16xf32>
    %swap3A_760 = vector.shape_cast %get3A_41 : vector<16xf32> to vector<1x16xf32>
    tpu.vector_store %arg6[%swap3A_756, %swap3A_757], %swap3A_760 {strides = array<i32>} : memref<16x128xf32, #tpu.memory_space<vmem>>, vector<1x16xf32>,
    %mul3A_761 = arith.constant 512 : i32
    %mul3A_762 = arith.muli %add3A, %mul3A_761 : i32
    %add3A_763 = arith.constant 0 : i32
    %add3A_764 = arith.addi %mul3A_762, %add3A_763 : i32
    %dma_start3A = arith.constant 0 : i32
    %dma_start3A_765 = tpu.memref_slice %arg4[%add3A_764, %dma_start3A] : memref<16384x128xf32, #tpu.memory_space<hbm>> -> memref<16x128xf32, #tpu.memory_space<hbm>>
    %dma_start3A_766 = arith.constant 0 : i32
    %dma_start3A_767 = tpu.memref_slice %arg4[%add3A_764, %dma_start3A_766] : memref<16384x128xf32, #tpu.memory_space<hbm>> -> memref<16x128xf32, #tpu.memory_space<hbm>>
    tpu.enqueue_dma source(%arg6 : memref<16x128xf32, #tpu.memory_space<vmem>>) target(%dma_start3A_767 : memref<16x128xf32, #tpu.memory_space<hbm>>) target_semaphore(%arg9 : memref<!tpu.dma_semaphore, #tpu.memory_space<semaphore_mem>>)
    %add3A_768 = arith.constant 16 : i32
    %add3A_769 = arith.addi %mul3A_762, %add3A_768 : i32
    %dma_start3A_770 = arith.constant 0 : i32
    %dma_start3A_771 = tpu.memref_slice %arg4[%add3A_769, %dma_start3A_770] : memref<16384x128xf32, #tpu.memory_space<hbm>> -> memref<16x128xf32, #tpu.memory_space<hbm>>
    %dma_start3A_772 = arith.constant 0 : i32
    %dma_start3A_773 = tpu.memref_slice %arg4[%add3A_769, %dma_start3A_772] : memref<16384x128xf32, #tpu.memory_space<hbm>> -> memref<16x128xf32, #tpu.memory_space<hbm>>
    tpu.enqueue_dma source(%arg6 : memref<16x128xf32, #tpu.memory_space<vmem>>) target(%dma_start3A_773 : memref<16x128xf32, #tpu.memory_space<hbm>>) target_semaphore(%arg9 : memref<!tpu.dma_semaphore, #tpu.memory_space<semaphore_mem>>)
    %add3A_774 = arith.constant 32 : i32
    %add3A_775 = arith.addi %mul3A_762, %add3A_774 : i32
    %dma_start3A_776 = arith.constant 0 : i32
    %dma_start3A_777 = tpu.memref_slice %arg4[%add3A_775, %dma_start3A_776] : memref<16384x128xf32, #tpu.memory_space<hbm>> -> memref<16x128xf32, #tpu.memory_space<hbm>>
    %dma_start3A_778 = arith.constant 0 : i32
    %dma_start3A_779 = tpu.memref_slice %arg4[%add3A_775, %dma_start3A_778] : memref<16384x128xf32, #tpu.memory_space<hbm>> -> memref<16x128xf32, #tpu.memory_space<hbm>>
    tpu.enqueue_dma source(%arg6 : memref<16x128xf32, #tpu.memory_space<vmem>>) target(%dma_start3A_779 : memref<16x128xf32, #tpu.memory_space<hbm>>) target_semaphore(%arg9 : memref<!tpu.dma_semaphore, #tpu.memory_space<semaphore_mem>>)
    %add3A_780 = arith.constant 48 : i32
    %add3A_781 = arith.addi %mul3A_762, %add3A_780 : i32
    %dma_start3A_782 = arith.constant 0 : i32
    %dma_start3A_783 = tpu.memref_slice %arg4[%add3A_781, %dma_start3A_782] : memref<16384x128xf32, #tpu.memory_space<hbm>> -> memref<16x128xf32, #tpu.memory_space<hbm>>
    %dma_start3A_784 = arith.constant 0 : i32
    %dma_start3A_785 = tpu.memref_slice %arg4[%add3A_781, %dma_start3A_784] : memref<16384x128xf32, #tpu.memory_space<hbm>> -> memref<16x128xf32, #tpu.memory_space<hbm>>
    tpu.enqueue_dma source(%arg6 : memref<16x128xf32, #tpu.memory_space<vmem>>) target(%dma_start3A_785 : memref<16x128xf32, #tpu.memory_space<hbm>>) target_semaphore(%arg9 : memref<!tpu.dma_semaphore, #tpu.memory_space<semaphore_mem>>)
    %add3A_786 = arith.constant 64 : i32
    %add3A_787 = arith.addi %mul3A_762, %add3A_786 : i32
    %dma_start3A_788 = arith.constant 0 : i32
    %dma_start3A_789 = tpu.memref_slice %arg4[%add3A_787, %dma_start3A_788] : memref<16384x128xf32, #tpu.memory_space<hbm>> -> memref<16x128xf32, #tpu.memory_space<hbm>>
    %dma_start3A_790 = arith.constant 0 : i32
    %dma_start3A_791 = tpu.memref_slice %arg4[%add3A_787, %dma_start3A_790] : memref<16384x128xf32, #tpu.memory_space<hbm>> -> memref<16x128xf32, #tpu.memory_space<hbm>>
    tpu.enqueue_dma source(%arg6 : memref<16x128xf32, #tpu.memory_space<vmem>>) target(%dma_start3A_791 : memref<16x128xf32, #tpu.memory_space<hbm>>) target_semaphore(%arg9 : memref<!tpu.dma_semaphore, #tpu.memory_space<semaphore_mem>>)
    %add3A_792 = arith.constant 80 : i32
    %add3A_793 = arith.addi %mul3A_762, %add3A_792 : i32
    %dma_start3A_794 = arith.constant 0 : i32
    %dma_start3A_795 = tpu.memref_slice %arg4[%add3A_793, %dma_start3A_794] : memref<16384x128xf32, #tpu.memory_space<hbm>> -> memref<16x128xf32, #tpu.memory_space<hbm>>
    %dma_start3A_796 = arith.constant 0 : i32
    %dma_start3A_797 = tpu.memref_slice %arg4[%add3A_793, %dma_start3A_796] : memref<16384x128xf32, #tpu.memory_space<hbm>> -> memref<16x128xf32, #tpu.memory_space<hbm>>
    tpu.enqueue_dma source(%arg6 : memref<16x128xf32, #tpu.memory_space<vmem>>) target(%dma_start3A_797 : memref<16x128xf32, #tpu.memory_space<hbm>>) target_semaphore(%arg9 : memref<!tpu.dma_semaphore, #tpu.memory_space<semaphore_mem>>)
    %add3A_798 = arith.constant 96 : i32
    %add3A_799 = arith.addi %mul3A_762, %add3A_798 : i32
    %dma_start3A_800 = arith.constant 0 : i32
    %dma_start3A_801 = tpu.memref_slice %arg4[%add3A_799, %dma_start3A_800] : memref<16384x128xf32, #tpu.memory_space<hbm>> -> memref<16x128xf32, #tpu.memory_space<hbm>>
    %dma_start3A_802 = arith.constant 0 : i32
    %dma_start3A_803 = tpu.memref_slice %arg4[%add3A_799, %dma_start3A_802] : memref<16384x128xf32, #tpu.memory_space<hbm>> -> memref<16x128xf32, #tpu.memory_space<hbm>>
    tpu.enqueue_dma source(%arg6 : memref<16x128xf32, #tpu.memory_space<vmem>>) target(%dma_start3A_803 : memref<16x128xf32, #tpu.memory_space<hbm>>) target_semaphore(%arg9 : memref<!tpu.dma_semaphore, #tpu.memory_space<semaphore_mem>>)
    %add3A_804 = arith.constant 112 : i32
    %add3A_805 = arith.addi %mul3A_762, %add3A_804 : i32
    %dma_start3A_806 = arith.constant 0 : i32
    %dma_start3A_807 = tpu.memref_slice %arg4[%add3A_805, %dma_start3A_806] : memref<16384x128xf32, #tpu.memory_space<hbm>> -> memref<16x128xf32, #tpu.memory_space<hbm>>
    %dma_start3A_808 = arith.constant 0 : i32
    %dma_start3A_809 = tpu.memref_slice %arg4[%add3A_805, %dma_start3A_808] : memref<16384x128xf32, #tpu.memory_space<hbm>> -> memref<16x128xf32, #tpu.memory_space<hbm>>
    tpu.enqueue_dma source(%arg6 : memref<16x128xf32, #tpu.memory_space<vmem>>) target(%dma_start3A_809 : memref<16x128xf32, #tpu.memory_space<hbm>>) target_semaphore(%arg9 : memref<!tpu.dma_semaphore, #tpu.memory_space<semaphore_mem>>)
    %add3A_810 = arith.constant 128 : i32
    %add3A_811 = arith.addi %mul3A_762, %add3A_810 : i32
    %dma_start3A_812 = arith.constant 0 : i32
    %dma_start3A_813 = tpu.memref_slice %arg4[%add3A_811, %dma_start3A_812] : memref<16384x128xf32, #tpu.memory_space<hbm>> -> memref<16x128xf32, #tpu.memory_space<hbm>>
    %dma_start3A_814 = arith.constant 0 : i32
    %dma_start3A_815 = tpu.memref_slice %arg4[%add3A_811, %dma_start3A_814] : memref<16384x128xf32, #tpu.memory_space<hbm>> -> memref<16x128xf32, #tpu.memory_space<hbm>>
    tpu.enqueue_dma source(%arg6 : memref<16x128xf32, #tpu.memory_space<vmem>>) target(%dma_start3A_815 : memref<16x128xf32, #tpu.memory_space<hbm>>) target_semaphore(%arg9 : memref<!tpu.dma_semaphore, #tpu.memory_space<semaphore_mem>>)
    %add3A_816 = arith.constant 144 : i32
    %add3A_817 = arith.addi %mul3A_762, %add3A_816 : i32
    %dma_start3A_818 = arith.constant 0 : i32
    %dma_start3A_819 = tpu.memref_slice %arg4[%add3A_817, %dma_start3A_818] : memref<16384x128xf32, #tpu.memory_space<hbm>> -> memref<16x128xf32, #tpu.memory_space<hbm>>
    %dma_start3A_820 = arith.constant 0 : i32
    %dma_start3A_821 = tpu.memref_slice %arg4[%add3A_817, %dma_start3A_820] : memref<16384x128xf32, #tpu.memory_space<hbm>> -> memref<16x128xf32, #tpu.memory_space<hbm>>
    tpu.enqueue_dma source(%arg6 : memref<16x128xf32, #tpu.memory_space<vmem>>) target(%dma_start3A_821 : memref<16x128xf32, #tpu.memory_space<hbm>>) target_semaphore(%arg9 : memref<!tpu.dma_semaphore, #tpu.memory_space<semaphore_mem>>)
    %add3A_822 = arith.constant 160 : i32
    %add3A_823 = arith.addi %mul3A_762, %add3A_822 : i32
    %dma_start3A_824 = arith.constant 0 : i32
    %dma_start3A_825 = tpu.memref_slice %arg4[%add3A_823, %dma_start3A_824] : memref<16384x128xf32, #tpu.memory_space<hbm>> -> memref<16x128xf32, #tpu.memory_space<hbm>>
    %dma_start3A_826 = arith.constant 0 : i32
    %dma_start3A_827 = tpu.memref_slice %arg4[%add3A_823, %dma_start3A_826] : memref<16384x128xf32, #tpu.memory_space<hbm>> -> memref<16x128xf32, #tpu.memory_space<hbm>>
    tpu.enqueue_dma source(%arg6 : memref<16x128xf32, #tpu.memory_space<vmem>>) target(%dma_start3A_827 : memref<16x128xf32, #tpu.memory_space<hbm>>) target_semaphore(%arg9 : memref<!tpu.dma_semaphore, #tpu.memory_space<semaphore_mem>>)
    %add3A_828 = arith.constant 176 : i32
    %add3A_829 = arith.addi %mul3A_762, %add3A_828 : i32
    %dma_start3A_830 = arith.constant 0 : i32
    %dma_start3A_831 = tpu.memref_slice %arg4[%add3A_829, %dma_start3A_830] : memref<16384x128xf32, #tpu.memory_space<hbm>> -> memref<16x128xf32, #tpu.memory_space<hbm>>
    %dma_start3A_832 = arith.constant 0 : i32
    %dma_start3A_833 = tpu.memref_slice %arg4[%add3A_829, %dma_start3A_832] : memref<16384x128xf32, #tpu.memory_space<hbm>> -> memref<16x128xf32, #tpu.memory_space<hbm>>
    tpu.enqueue_dma source(%arg6 : memref<16x128xf32, #tpu.memory_space<vmem>>) target(%dma_start3A_833 : memref<16x128xf32, #tpu.memory_space<hbm>>) target_semaphore(%arg9 : memref<!tpu.dma_semaphore, #tpu.memory_space<semaphore_mem>>)
    %add3A_834 = arith.constant 192 : i32
    %add3A_835 = arith.addi %mul3A_762, %add3A_834 : i32
    %dma_start3A_836 = arith.constant 0 : i32
    %dma_start3A_837 = tpu.memref_slice %arg4[%add3A_835, %dma_start3A_836] : memref<16384x128xf32, #tpu.memory_space<hbm>> -> memref<16x128xf32, #tpu.memory_space<hbm>>
    %dma_start3A_838 = arith.constant 0 : i32
    %dma_start3A_839 = tpu.memref_slice %arg4[%add3A_835, %dma_start3A_838] : memref<16384x128xf32, #tpu.memory_space<hbm>> -> memref<16x128xf32, #tpu.memory_space<hbm>>
    tpu.enqueue_dma source(%arg6 : memref<16x128xf32, #tpu.memory_space<vmem>>) target(%dma_start3A_839 : memref<16x128xf32, #tpu.memory_space<hbm>>) target_semaphore(%arg9 : memref<!tpu.dma_semaphore, #tpu.memory_space<semaphore_mem>>)
    %add3A_840 = arith.constant 208 : i32
    %add3A_841 = arith.addi %mul3A_762, %add3A_840 : i32
    %dma_start3A_842 = arith.constant 0 : i32
    %dma_start3A_843 = tpu.memref_slice %arg4[%add3A_841, %dma_start3A_842] : memref<16384x128xf32, #tpu.memory_space<hbm>> -> memref<16x128xf32, #tpu.memory_space<hbm>>
    %dma_start3A_844 = arith.constant 0 : i32
    %dma_start3A_845 = tpu.memref_slice %arg4[%add3A_841, %dma_start3A_844] : memref<16384x128xf32, #tpu.memory_space<hbm>> -> memref<16x128xf32, #tpu.memory_space<hbm>>
    tpu.enqueue_dma source(%arg6 : memref<16x128xf32, #tpu.memory_space<vmem>>) target(%dma_start3A_845 : memref<16x128xf32, #tpu.memory_space<hbm>>) target_semaphore(%arg9 : memref<!tpu.dma_semaphore, #tpu.memory_space<semaphore_mem>>)
    %add3A_846 = arith.constant 224 : i32
    %add3A_847 = arith.addi %mul3A_762, %add3A_846 : i32
    %dma_start3A_848 = arith.constant 0 : i32
    %dma_start3A_849 = tpu.memref_slice %arg4[%add3A_847, %dma_start3A_848] : memref<16384x128xf32, #tpu.memory_space<hbm>> -> memref<16x128xf32, #tpu.memory_space<hbm>>
    %dma_start3A_850 = arith.constant 0 : i32
    %dma_start3A_851 = tpu.memref_slice %arg4[%add3A_847, %dma_start3A_850] : memref<16384x128xf32, #tpu.memory_space<hbm>> -> memref<16x128xf32, #tpu.memory_space<hbm>>
    tpu.enqueue_dma source(%arg6 : memref<16x128xf32, #tpu.memory_space<vmem>>) target(%dma_start3A_851 : memref<16x128xf32, #tpu.memory_space<hbm>>) target_semaphore(%arg9 : memref<!tpu.dma_semaphore, #tpu.memory_space<semaphore_mem>>)
    %add3A_852 = arith.constant 240 : i32
    %add3A_853 = arith.addi %mul3A_762, %add3A_852 : i32
    %dma_start3A_854 = arith.constant 0 : i32
    %dma_start3A_855 = tpu.memref_slice %arg4[%add3A_853, %dma_start3A_854] : memref<16384x128xf32, #tpu.memory_space<hbm>> -> memref<16x128xf32, #tpu.memory_space<hbm>>
    %dma_start3A_856 = arith.constant 0 : i32
    %dma_start3A_857 = tpu.memref_slice %arg4[%add3A_853, %dma_start3A_856] : memref<16384x128xf32, #tpu.memory_space<hbm>> -> memref<16x128xf32, #tpu.memory_space<hbm>>
    tpu.enqueue_dma source(%arg6 : memref<16x128xf32, #tpu.memory_space<vmem>>) target(%dma_start3A_857 : memref<16x128xf32, #tpu.memory_space<hbm>>) target_semaphore(%arg9 : memref<!tpu.dma_semaphore, #tpu.memory_space<semaphore_mem>>)
    %add3A_858 = arith.constant 256 : i32
    %add3A_859 = arith.addi %mul3A_762, %add3A_858 : i32
    %dma_start3A_860 = arith.constant 0 : i32
    %dma_start3A_861 = tpu.memref_slice %arg4[%add3A_859, %dma_start3A_860] : memref<16384x128xf32, #tpu.memory_space<hbm>> -> memref<16x128xf32, #tpu.memory_space<hbm>>
    %dma_start3A_862 = arith.constant 0 : i32
    %dma_start3A_863 = tpu.memref_slice %arg4[%add3A_859, %dma_start3A_862] : memref<16384x128xf32, #tpu.memory_space<hbm>> -> memref<16x128xf32, #tpu.memory_space<hbm>>
    tpu.enqueue_dma source(%arg6 : memref<16x128xf32, #tpu.memory_space<vmem>>) target(%dma_start3A_863 : memref<16x128xf32, #tpu.memory_space<hbm>>) target_semaphore(%arg9 : memref<!tpu.dma_semaphore, #tpu.memory_space<semaphore_mem>>)
    %add3A_864 = arith.constant 272 : i32
    %add3A_865 = arith.addi %mul3A_762, %add3A_864 : i32
    %dma_start3A_866 = arith.constant 0 : i32
    %dma_start3A_867 = tpu.memref_slice %arg4[%add3A_865, %dma_start3A_866] : memref<16384x128xf32, #tpu.memory_space<hbm>> -> memref<16x128xf32, #tpu.memory_space<hbm>>
    %dma_start3A_868 = arith.constant 0 : i32
    %dma_start3A_869 = tpu.memref_slice %arg4[%add3A_865, %dma_start3A_868] : memref<16384x128xf32, #tpu.memory_space<hbm>> -> memref<16x128xf32, #tpu.memory_space<hbm>>
    tpu.enqueue_dma source(%arg6 : memref<16x128xf32, #tpu.memory_space<vmem>>) target(%dma_start3A_869 : memref<16x128xf32, #tpu.memory_space<hbm>>) target_semaphore(%arg9 : memref<!tpu.dma_semaphore, #tpu.memory_space<semaphore_mem>>)
    %add3A_870 = arith.constant 288 : i32
    %add3A_871 = arith.addi %mul3A_762, %add3A_870 : i32
    %dma_start3A_872 = arith.constant 0 : i32
    %dma_start3A_873 = tpu.memref_slice %arg4[%add3A_871, %dma_start3A_872] : memref<16384x128xf32, #tpu.memory_space<hbm>> -> memref<16x128xf32, #tpu.memory_space<hbm>>
    %dma_start3A_874 = arith.constant 0 : i32
    %dma_start3A_875 = tpu.memref_slice %arg4[%add3A_871, %dma_start3A_874] : memref<16384x128xf32, #tpu.memory_space<hbm>> -> memref<16x128xf32, #tpu.memory_space<hbm>>
    tpu.enqueue_dma source(%arg6 : memref<16x128xf32, #tpu.memory_space<vmem>>) target(%dma_start3A_875 : memref<16x128xf32, #tpu.memory_space<hbm>>) target_semaphore(%arg9 : memref<!tpu.dma_semaphore, #tpu.memory_space<semaphore_mem>>)
    %add3A_876 = arith.constant 304 : i32
    %add3A_877 = arith.addi %mul3A_762, %add3A_876 : i32
    %dma_start3A_878 = arith.constant 0 : i32
    %dma_start3A_879 = tpu.memref_slice %arg4[%add3A_877, %dma_start3A_878] : memref<16384x128xf32, #tpu.memory_space<hbm>> -> memref<16x128xf32, #tpu.memory_space<hbm>>
    %dma_start3A_880 = arith.constant 0 : i32
    %dma_start3A_881 = tpu.memref_slice %arg4[%add3A_877, %dma_start3A_880] : memref<16384x128xf32, #tpu.memory_space<hbm>> -> memref<16x128xf32, #tpu.memory_space<hbm>>
    tpu.enqueue_dma source(%arg6 : memref<16x128xf32, #tpu.memory_space<vmem>>) target(%dma_start3A_881 : memref<16x128xf32, #tpu.memory_space<hbm>>) target_semaphore(%arg9 : memref<!tpu.dma_semaphore, #tpu.memory_space<semaphore_mem>>)
    %add3A_882 = arith.constant 320 : i32
    %add3A_883 = arith.addi %mul3A_762, %add3A_882 : i32
    %dma_start3A_884 = arith.constant 0 : i32
    %dma_start3A_885 = tpu.memref_slice %arg4[%add3A_883, %dma_start3A_884] : memref<16384x128xf32, #tpu.memory_space<hbm>> -> memref<16x128xf32, #tpu.memory_space<hbm>>
    %dma_start3A_886 = arith.constant 0 : i32
    %dma_start3A_887 = tpu.memref_slice %arg4[%add3A_883, %dma_start3A_886] : memref<16384x128xf32, #tpu.memory_space<hbm>> -> memref<16x128xf32, #tpu.memory_space<hbm>>
    tpu.enqueue_dma source(%arg6 : memref<16x128xf32, #tpu.memory_space<vmem>>) target(%dma_start3A_887 : memref<16x128xf32, #tpu.memory_space<hbm>>) target_semaphore(%arg9 : memref<!tpu.dma_semaphore, #tpu.memory_space<semaphore_mem>>)
    %add3A_888 = arith.constant 336 : i32
    %add3A_889 = arith.addi %mul3A_762, %add3A_888 : i32
    %dma_start3A_890 = arith.constant 0 : i32
    %dma_start3A_891 = tpu.memref_slice %arg4[%add3A_889, %dma_start3A_890] : memref<16384x128xf32, #tpu.memory_space<hbm>> -> memref<16x128xf32, #tpu.memory_space<hbm>>
    %dma_start3A_892 = arith.constant 0 : i32
    %dma_start3A_893 = tpu.memref_slice %arg4[%add3A_889, %dma_start3A_892] : memref<16384x128xf32, #tpu.memory_space<hbm>> -> memref<16x128xf32, #tpu.memory_space<hbm>>
    tpu.enqueue_dma source(%arg6 : memref<16x128xf32, #tpu.memory_space<vmem>>) target(%dma_start3A_893 : memref<16x128xf32, #tpu.memory_space<hbm>>) target_semaphore(%arg9 : memref<!tpu.dma_semaphore, #tpu.memory_space<semaphore_mem>>)
    %add3A_894 = arith.constant 352 : i32
    %add3A_895 = arith.addi %mul3A_762, %add3A_894 : i32
    %dma_start3A_896 = arith.constant 0 : i32
    %dma_start3A_897 = tpu.memref_slice %arg4[%add3A_895, %dma_start3A_896] : memref<16384x128xf32, #tpu.memory_space<hbm>> -> memref<16x128xf32, #tpu.memory_space<hbm>>
    %dma_start3A_898 = arith.constant 0 : i32
    %dma_start3A_899 = tpu.memref_slice %arg4[%add3A_895, %dma_start3A_898] : memref<16384x128xf32, #tpu.memory_space<hbm>> -> memref<16x128xf32, #tpu.memory_space<hbm>>
    tpu.enqueue_dma source(%arg6 : memref<16x128xf32, #tpu.memory_space<vmem>>) target(%dma_start3A_899 : memref<16x128xf32, #tpu.memory_space<hbm>>) target_semaphore(%arg9 : memref<!tpu.dma_semaphore, #tpu.memory_space<semaphore_mem>>)
    %add3A_900 = arith.constant 368 : i32
    %add3A_901 = arith.addi %mul3A_762, %add3A_900 : i32
    %dma_start3A_902 = arith.constant 0 : i32
    %dma_start3A_903 = tpu.memref_slice %arg4[%add3A_901, %dma_start3A_902] : memref<16384x128xf32, #tpu.memory_space<hbm>> -> memref<16x128xf32, #tpu.memory_space<hbm>>
    %dma_start3A_904 = arith.constant 0 : i32
    %dma_start3A_905 = tpu.memref_slice %arg4[%add3A_901, %dma_start3A_904] : memref<16384x128xf32, #tpu.memory_space<hbm>> -> memref<16x128xf32, #tpu.memory_space<hbm>>
    tpu.enqueue_dma source(%arg6 : memref<16x128xf32, #tpu.memory_space<vmem>>) target(%dma_start3A_905 : memref<16x128xf32, #tpu.memory_space<hbm>>) target_semaphore(%arg9 : memref<!tpu.dma_semaphore, #tpu.memory_space<semaphore_mem>>)
    %add3A_906 = arith.constant 384 : i32
    %add3A_907 = arith.addi %mul3A_762, %add3A_906 : i32
    %dma_start3A_908 = arith.constant 0 : i32
    %dma_start3A_909 = tpu.memref_slice %arg4[%add3A_907, %dma_start3A_908] : memref<16384x128xf32, #tpu.memory_space<hbm>> -> memref<16x128xf32, #tpu.memory_space<hbm>>
    %dma_start3A_910 = arith.constant 0 : i32
    %dma_start3A_911 = tpu.memref_slice %arg4[%add3A_907, %dma_start3A_910] : memref<16384x128xf32, #tpu.memory_space<hbm>> -> memref<16x128xf32, #tpu.memory_space<hbm>>
    tpu.enqueue_dma source(%arg6 : memref<16x128xf32, #tpu.memory_space<vmem>>) target(%dma_start3A_911 : memref<16x128xf32, #tpu.memory_space<hbm>>) target_semaphore(%arg9 : memref<!tpu.dma_semaphore, #tpu.memory_space<semaphore_mem>>)
    %add3A_912 = arith.constant 400 : i32
    %add3A_913 = arith.addi %mul3A_762, %add3A_912 : i32
    %dma_start3A_914 = arith.constant 0 : i32
    %dma_start3A_915 = tpu.memref_slice %arg4[%add3A_913, %dma_start3A_914] : memref<16384x128xf32, #tpu.memory_space<hbm>> -> memref<16x128xf32, #tpu.memory_space<hbm>>
    %dma_start3A_916 = arith.constant 0 : i32
    %dma_start3A_917 = tpu.memref_slice %arg4[%add3A_913, %dma_start3A_916] : memref<16384x128xf32, #tpu.memory_space<hbm>> -> memref<16x128xf32, #tpu.memory_space<hbm>>
    tpu.enqueue_dma source(%arg6 : memref<16x128xf32, #tpu.memory_space<vmem>>) target(%dma_start3A_917 : memref<16x128xf32, #tpu.memory_space<hbm>>) target_semaphore(%arg9 : memref<!tpu.dma_semaphore, #tpu.memory_space<semaphore_mem>>)
    %add3A_918 = arith.constant 416 : i32
    %add3A_919 = arith.addi %mul3A_762, %add3A_918 : i32
    %dma_start3A_920 = arith.constant 0 : i32
    %dma_start3A_921 = tpu.memref_slice %arg4[%add3A_919, %dma_start3A_920] : memref<16384x128xf32, #tpu.memory_space<hbm>> -> memref<16x128xf32, #tpu.memory_space<hbm>>
    %dma_start3A_922 = arith.constant 0 : i32
    %dma_start3A_923 = tpu.memref_slice %arg4[%add3A_919, %dma_start3A_922] : memref<16384x128xf32, #tpu.memory_space<hbm>> -> memref<16x128xf32, #tpu.memory_space<hbm>>
    tpu.enqueue_dma source(%arg6 : memref<16x128xf32, #tpu.memory_space<vmem>>) target(%dma_start3A_923 : memref<16x128xf32, #tpu.memory_space<hbm>>) target_semaphore(%arg9 : memref<!tpu.dma_semaphore, #tpu.memory_space<semaphore_mem>>)
    %add3A_924 = arith.constant 432 : i32
    %add3A_925 = arith.addi %mul3A_762, %add3A_924 : i32
    %dma_start3A_926 = arith.constant 0 : i32
    %dma_start3A_927 = tpu.memref_slice %arg4[%add3A_925, %dma_start3A_926] : memref<16384x128xf32, #tpu.memory_space<hbm>> -> memref<16x128xf32, #tpu.memory_space<hbm>>
    %dma_start3A_928 = arith.constant 0 : i32
    %dma_start3A_929 = tpu.memref_slice %arg4[%add3A_925, %dma_start3A_928] : memref<16384x128xf32, #tpu.memory_space<hbm>> -> memref<16x128xf32, #tpu.memory_space<hbm>>
    tpu.enqueue_dma source(%arg6 : memref<16x128xf32, #tpu.memory_space<vmem>>) target(%dma_start3A_929 : memref<16x128xf32, #tpu.memory_space<hbm>>) target_semaphore(%arg9 : memref<!tpu.dma_semaphore, #tpu.memory_space<semaphore_mem>>)
    %add3A_930 = arith.constant 448 : i32
    %add3A_931 = arith.addi %mul3A_762, %add3A_930 : i32
    %dma_start3A_932 = arith.constant 0 : i32
    %dma_start3A_933 = tpu.memref_slice %arg4[%add3A_931, %dma_start3A_932] : memref<16384x128xf32, #tpu.memory_space<hbm>> -> memref<16x128xf32, #tpu.memory_space<hbm>>
    %dma_start3A_934 = arith.constant 0 : i32
    %dma_start3A_935 = tpu.memref_slice %arg4[%add3A_931, %dma_start3A_934] : memref<16384x128xf32, #tpu.memory_space<hbm>> -> memref<16x128xf32, #tpu.memory_space<hbm>>
    tpu.enqueue_dma source(%arg6 : memref<16x128xf32, #tpu.memory_space<vmem>>) target(%dma_start3A_935 : memref<16x128xf32, #tpu.memory_space<hbm>>) target_semaphore(%arg9 : memref<!tpu.dma_semaphore, #tpu.memory_space<semaphore_mem>>)
    %add3A_936 = arith.constant 464 : i32
    %add3A_937 = arith.addi %mul3A_762, %add3A_936 : i32
    %dma_start3A_938 = arith.constant 0 : i32
    %dma_start3A_939 = tpu.memref_slice %arg4[%add3A_937, %dma_start3A_938] : memref<16384x128xf32, #tpu.memory_space<hbm>> -> memref<16x128xf32, #tpu.memory_space<hbm>>
    %dma_start3A_940 = arith.constant 0 : i32
    %dma_start3A_941 = tpu.memref_slice %arg4[%add3A_937, %dma_start3A_940] : memref<16384x128xf32, #tpu.memory_space<hbm>> -> memref<16x128xf32, #tpu.memory_space<hbm>>
    tpu.enqueue_dma source(%arg6 : memref<16x128xf32, #tpu.memory_space<vmem>>) target(%dma_start3A_941 : memref<16x128xf32, #tpu.memory_space<hbm>>) target_semaphore(%arg9 : memref<!tpu.dma_semaphore, #tpu.memory_space<semaphore_mem>>)
    %add3A_942 = arith.constant 480 : i32
    %add3A_943 = arith.addi %mul3A_762, %add3A_942 : i32
    %dma_start3A_944 = arith.constant 0 : i32
    %dma_start3A_945 = tpu.memref_slice %arg4[%add3A_943, %dma_start3A_944] : memref<16384x128xf32, #tpu.memory_space<hbm>> -> memref<16x128xf32, #tpu.memory_space<hbm>>
    %dma_start3A_946 = arith.constant 0 : i32
    %dma_start3A_947 = tpu.memref_slice %arg4[%add3A_943, %dma_start3A_946] : memref<16384x128xf32, #tpu.memory_space<hbm>> -> memref<16x128xf32, #tpu.memory_space<hbm>>
    tpu.enqueue_dma source(%arg6 : memref<16x128xf32, #tpu.memory_space<vmem>>) target(%dma_start3A_947 : memref<16x128xf32, #tpu.memory_space<hbm>>) target_semaphore(%arg9 : memref<!tpu.dma_semaphore, #tpu.memory_space<semaphore_mem>>)
    %add3A_948 = arith.constant 496 : i32
    %add3A_949 = arith.addi %mul3A_762, %add3A_948 : i32
    %dma_start3A_950 = arith.constant 0 : i32
    %dma_start3A_951 = tpu.memref_slice %arg4[%add3A_949, %dma_start3A_950] : memref<16384x128xf32, #tpu.memory_space<hbm>> -> memref<16x128xf32, #tpu.memory_space<hbm>>
    %dma_start3A_952 = arith.constant 0 : i32
    %dma_start3A_953 = tpu.memref_slice %arg4[%add3A_949, %dma_start3A_952] : memref<16384x128xf32, #tpu.memory_space<hbm>> -> memref<16x128xf32, #tpu.memory_space<hbm>>
    tpu.enqueue_dma source(%arg6 : memref<16x128xf32, #tpu.memory_space<vmem>>) target(%dma_start3A_953 : memref<16x128xf32, #tpu.memory_space<hbm>>) target_semaphore(%arg9 : memref<!tpu.dma_semaphore, #tpu.memory_space<semaphore_mem>>)
    %dma_wait3A = arith.constant 0 : i32
    %dma_wait3A_954 = tpu.memref_slice %arg4[%add3A_764, %dma_wait3A] : memref<16384x128xf32, #tpu.memory_space<hbm>> -> memref<16x128xf32, #tpu.memory_space<hbm>>
    %dma_wait3A_955 = arith.constant 0 : i32
    %dma_wait3A_956 = tpu.memref_slice %arg4[%add3A_764, %dma_wait3A_955] : memref<16384x128xf32, #tpu.memory_space<hbm>> -> memref<16x128xf32, #tpu.memory_space<hbm>>
    tpu.wait_dma2 semaphore(%arg9 : memref<!tpu.dma_semaphore, #tpu.memory_space<semaphore_mem>>) src(%arg6 : memref<16x128xf32, #tpu.memory_space<vmem>>) dst(%dma_wait3A_956 : memref<16x128xf32, #tpu.memory_space<hbm>>)
    %dma_wait3A_957 = arith.constant 0 : i32
    %dma_wait3A_958 = tpu.memref_slice %arg4[%add3A_769, %dma_wait3A_957] : memref<16384x128xf32, #tpu.memory_space<hbm>> -> memref<16x128xf32, #tpu.memory_space<hbm>>
    %dma_wait3A_959 = arith.constant 0 : i32
    %dma_wait3A_960 = tpu.memref_slice %arg4[%add3A_769, %dma_wait3A_959] : memref<16384x128xf32, #tpu.memory_space<hbm>> -> memref<16x128xf32, #tpu.memory_space<hbm>>
    tpu.wait_dma2 semaphore(%arg9 : memref<!tpu.dma_semaphore, #tpu.memory_space<semaphore_mem>>) src(%arg6 : memref<16x128xf32, #tpu.memory_space<vmem>>) dst(%dma_wait3A_960 : memref<16x128xf32, #tpu.memory_space<hbm>>)
    %dma_wait3A_961 = arith.constant 0 : i32
    %dma_wait3A_962 = tpu.memref_slice %arg4[%add3A_775, %dma_wait3A_961] : memref<16384x128xf32, #tpu.memory_space<hbm>> -> memref<16x128xf32, #tpu.memory_space<hbm>>
    %dma_wait3A_963 = arith.constant 0 : i32
    %dma_wait3A_964 = tpu.memref_slice %arg4[%add3A_775, %dma_wait3A_963] : memref<16384x128xf32, #tpu.memory_space<hbm>> -> memref<16x128xf32, #tpu.memory_space<hbm>>
    tpu.wait_dma2 semaphore(%arg9 : memref<!tpu.dma_semaphore, #tpu.memory_space<semaphore_mem>>) src(%arg6 : memref<16x128xf32, #tpu.memory_space<vmem>>) dst(%dma_wait3A_964 : memref<16x128xf32, #tpu.memory_space<hbm>>)
    %dma_wait3A_965 = arith.constant 0 : i32
    %dma_wait3A_966 = tpu.memref_slice %arg4[%add3A_781, %dma_wait3A_965] : memref<16384x128xf32, #tpu.memory_space<hbm>> -> memref<16x128xf32, #tpu.memory_space<hbm>>
    %dma_wait3A_967 = arith.constant 0 : i32
    %dma_wait3A_968 = tpu.memref_slice %arg4[%add3A_781, %dma_wait3A_967] : memref<16384x128xf32, #tpu.memory_space<hbm>> -> memref<16x128xf32, #tpu.memory_space<hbm>>
    tpu.wait_dma2 semaphore(%arg9 : memref<!tpu.dma_semaphore, #tpu.memory_space<semaphore_mem>>) src(%arg6 : memref<16x128xf32, #tpu.memory_space<vmem>>) dst(%dma_wait3A_968 : memref<16x128xf32, #tpu.memory_space<hbm>>)
    %dma_wait3A_969 = arith.constant 0 : i32
    %dma_wait3A_970 = tpu.memref_slice %arg4[%add3A_787, %dma_wait3A_969] : memref<16384x128xf32, #tpu.memory_space<hbm>> -> memref<16x128xf32, #tpu.memory_space<hbm>>
    %dma_wait3A_971 = arith.constant 0 : i32
    %dma_wait3A_972 = tpu.memref_slice %arg4[%add3A_787, %dma_wait3A_971] : memref<16384x128xf32, #tpu.memory_space<hbm>> -> memref<16x128xf32, #tpu.memory_space<hbm>>
    tpu.wait_dma2 semaphore(%arg9 : memref<!tpu.dma_semaphore, #tpu.memory_space<semaphore_mem>>) src(%arg6 : memref<16x128xf32, #tpu.memory_space<vmem>>) dst(%dma_wait3A_972 : memref<16x128xf32, #tpu.memory_space<hbm>>)
    %dma_wait3A_973 = arith.constant 0 : i32
    %dma_wait3A_974 = tpu.memref_slice %arg4[%add3A_793, %dma_wait3A_973] : memref<16384x128xf32, #tpu.memory_space<hbm>> -> memref<16x128xf32, #tpu.memory_space<hbm>>
    %dma_wait3A_975 = arith.constant 0 : i32
    %dma_wait3A_976 = tpu.memref_slice %arg4[%add3A_793, %dma_wait3A_975] : memref<16384x128xf32, #tpu.memory_space<hbm>> -> memref<16x128xf32, #tpu.memory_space<hbm>>
    tpu.wait_dma2 semaphore(%arg9 : memref<!tpu.dma_semaphore, #tpu.memory_space<semaphore_mem>>) src(%arg6 : memref<16x128xf32, #tpu.memory_space<vmem>>) dst(%dma_wait3A_976 : memref<16x128xf32, #tpu.memory_space<hbm>>)
    %dma_wait3A_977 = arith.constant 0 : i32
    %dma_wait3A_978 = tpu.memref_slice %arg4[%add3A_799, %dma_wait3A_977] : memref<16384x128xf32, #tpu.memory_space<hbm>> -> memref<16x128xf32, #tpu.memory_space<hbm>>
    %dma_wait3A_979 = arith.constant 0 : i32
    %dma_wait3A_980 = tpu.memref_slice %arg4[%add3A_799, %dma_wait3A_979] : memref<16384x128xf32, #tpu.memory_space<hbm>> -> memref<16x128xf32, #tpu.memory_space<hbm>>
    tpu.wait_dma2 semaphore(%arg9 : memref<!tpu.dma_semaphore, #tpu.memory_space<semaphore_mem>>) src(%arg6 : memref<16x128xf32, #tpu.memory_space<vmem>>) dst(%dma_wait3A_980 : memref<16x128xf32, #tpu.memory_space<hbm>>)
    %dma_wait3A_981 = arith.constant 0 : i32
    %dma_wait3A_982 = tpu.memref_slice %arg4[%add3A_805, %dma_wait3A_981] : memref<16384x128xf32, #tpu.memory_space<hbm>> -> memref<16x128xf32, #tpu.memory_space<hbm>>
    %dma_wait3A_983 = arith.constant 0 : i32
    %dma_wait3A_984 = tpu.memref_slice %arg4[%add3A_805, %dma_wait3A_983] : memref<16384x128xf32, #tpu.memory_space<hbm>> -> memref<16x128xf32, #tpu.memory_space<hbm>>
    tpu.wait_dma2 semaphore(%arg9 : memref<!tpu.dma_semaphore, #tpu.memory_space<semaphore_mem>>) src(%arg6 : memref<16x128xf32, #tpu.memory_space<vmem>>) dst(%dma_wait3A_984 : memref<16x128xf32, #tpu.memory_space<hbm>>)
    %dma_wait3A_985 = arith.constant 0 : i32
    %dma_wait3A_986 = tpu.memref_slice %arg4[%add3A_811, %dma_wait3A_985] : memref<16384x128xf32, #tpu.memory_space<hbm>> -> memref<16x128xf32, #tpu.memory_space<hbm>>
    %dma_wait3A_987 = arith.constant 0 : i32
    %dma_wait3A_988 = tpu.memref_slice %arg4[%add3A_811, %dma_wait3A_987] : memref<16384x128xf32, #tpu.memory_space<hbm>> -> memref<16x128xf32, #tpu.memory_space<hbm>>
    tpu.wait_dma2 semaphore(%arg9 : memref<!tpu.dma_semaphore, #tpu.memory_space<semaphore_mem>>) src(%arg6 : memref<16x128xf32, #tpu.memory_space<vmem>>) dst(%dma_wait3A_988 : memref<16x128xf32, #tpu.memory_space<hbm>>)
    %dma_wait3A_989 = arith.constant 0 : i32
    %dma_wait3A_990 = tpu.memref_slice %arg4[%add3A_817, %dma_wait3A_989] : memref<16384x128xf32, #tpu.memory_space<hbm>> -> memref<16x128xf32, #tpu.memory_space<hbm>>
    %dma_wait3A_991 = arith.constant 0 : i32
    %dma_wait3A_992 = tpu.memref_slice %arg4[%add3A_817, %dma_wait3A_991] : memref<16384x128xf32, #tpu.memory_space<hbm>> -> memref<16x128xf32, #tpu.memory_space<hbm>>
    tpu.wait_dma2 semaphore(%arg9 : memref<!tpu.dma_semaphore, #tpu.memory_space<semaphore_mem>>) src(%arg6 : memref<16x128xf32, #tpu.memory_space<vmem>>) dst(%dma_wait3A_992 : memref<16x128xf32, #tpu.memory_space<hbm>>)
    %dma_wait3A_993 = arith.constant 0 : i32
    %dma_wait3A_994 = tpu.memref_slice %arg4[%add3A_823, %dma_wait3A_993] : memref<16384x128xf32, #tpu.memory_space<hbm>> -> memref<16x128xf32, #tpu.memory_space<hbm>>
    %dma_wait3A_995 = arith.constant 0 : i32
    %dma_wait3A_996 = tpu.memref_slice %arg4[%add3A_823, %dma_wait3A_995] : memref<16384x128xf32, #tpu.memory_space<hbm>> -> memref<16x128xf32, #tpu.memory_space<hbm>>
    tpu.wait_dma2 semaphore(%arg9 : memref<!tpu.dma_semaphore, #tpu.memory_space<semaphore_mem>>) src(%arg6 : memref<16x128xf32, #tpu.memory_space<vmem>>) dst(%dma_wait3A_996 : memref<16x128xf32, #tpu.memory_space<hbm>>)
    %dma_wait3A_997 = arith.constant 0 : i32
    %dma_wait3A_998 = tpu.memref_slice %arg4[%add3A_829, %dma_wait3A_997] : memref<16384x128xf32, #tpu.memory_space<hbm>> -> memref<16x128xf32, #tpu.memory_space<hbm>>
    %dma_wait3A_999 = arith.constant 0 : i32
    %dma_wait3A_1000 = tpu.memref_slice %arg4[%add3A_829, %dma_wait3A_999] : memref<16384x128xf32, #tpu.memory_space<hbm>> -> memref<16x128xf32, #tpu.memory_space<hbm>>
    tpu.wait_dma2 semaphore(%arg9 : memref<!tpu.dma_semaphore, #tpu.memory_space<semaphore_mem>>) src(%arg6 : memref<16x128xf32, #tpu.memory_space<vmem>>) dst(%dma_wait3A_1000 : memref<16x128xf32, #tpu.memory_space<hbm>>)
    %dma_wait3A_1001 = arith.constant 0 : i32
    %dma_wait3A_1002 = tpu.memref_slice %arg4[%add3A_835, %dma_wait3A_1001] : memref<16384x128xf32, #tpu.memory_space<hbm>> -> memref<16x128xf32, #tpu.memory_space<hbm>>
    %dma_wait3A_1003 = arith.constant 0 : i32
    %dma_wait3A_1004 = tpu.memref_slice %arg4[%add3A_835, %dma_wait3A_1003] : memref<16384x128xf32, #tpu.memory_space<hbm>> -> memref<16x128xf32, #tpu.memory_space<hbm>>
    tpu.wait_dma2 semaphore(%arg9 : memref<!tpu.dma_semaphore, #tpu.memory_space<semaphore_mem>>) src(%arg6 : memref<16x128xf32, #tpu.memory_space<vmem>>) dst(%dma_wait3A_1004 : memref<16x128xf32, #tpu.memory_space<hbm>>)
    %dma_wait3A_1005 = arith.constant 0 : i32
    %dma_wait3A_1006 = tpu.memref_slice %arg4[%add3A_841, %dma_wait3A_1005] : memref<16384x128xf32, #tpu.memory_space<hbm>> -> memref<16x128xf32, #tpu.memory_space<hbm>>
    %dma_wait3A_1007 = arith.constant 0 : i32
    %dma_wait3A_1008 = tpu.memref_slice %arg4[%add3A_841, %dma_wait3A_1007] : memref<16384x128xf32, #tpu.memory_space<hbm>> -> memref<16x128xf32, #tpu.memory_space<hbm>>
    tpu.wait_dma2 semaphore(%arg9 : memref<!tpu.dma_semaphore, #tpu.memory_space<semaphore_mem>>) src(%arg6 : memref<16x128xf32, #tpu.memory_space<vmem>>) dst(%dma_wait3A_1008 : memref<16x128xf32, #tpu.memory_space<hbm>>)
    %dma_wait3A_1009 = arith.constant 0 : i32
    %dma_wait3A_1010 = tpu.memref_slice %arg4[%add3A_847, %dma_wait3A_1009] : memref<16384x128xf32, #tpu.memory_space<hbm>> -> memref<16x128xf32, #tpu.memory_space<hbm>>
    %dma_wait3A_1011 = arith.constant 0 : i32
    %dma_wait3A_1012 = tpu.memref_slice %arg4[%add3A_847, %dma_wait3A_1011] : memref<16384x128xf32, #tpu.memory_space<hbm>> -> memref<16x128xf32, #tpu.memory_space<hbm>>
    tpu.wait_dma2 semaphore(%arg9 : memref<!tpu.dma_semaphore, #tpu.memory_space<semaphore_mem>>) src(%arg6 : memref<16x128xf32, #tpu.memory_space<vmem>>) dst(%dma_wait3A_1012 : memref<16x128xf32, #tpu.memory_space<hbm>>)
    %dma_wait3A_1013 = arith.constant 0 : i32
    %dma_wait3A_1014 = tpu.memref_slice %arg4[%add3A_853, %dma_wait3A_1013] : memref<16384x128xf32, #tpu.memory_space<hbm>> -> memref<16x128xf32, #tpu.memory_space<hbm>>
    %dma_wait3A_1015 = arith.constant 0 : i32
    %dma_wait3A_1016 = tpu.memref_slice %arg4[%add3A_853, %dma_wait3A_1015] : memref<16384x128xf32, #tpu.memory_space<hbm>> -> memref<16x128xf32, #tpu.memory_space<hbm>>
    tpu.wait_dma2 semaphore(%arg9 : memref<!tpu.dma_semaphore, #tpu.memory_space<semaphore_mem>>) src(%arg6 : memref<16x128xf32, #tpu.memory_space<vmem>>) dst(%dma_wait3A_1016 : memref<16x128xf32, #tpu.memory_space<hbm>>)
    %dma_wait3A_1017 = arith.constant 0 : i32
    %dma_wait3A_1018 = tpu.memref_slice %arg4[%add3A_859, %dma_wait3A_1017] : memref<16384x128xf32, #tpu.memory_space<hbm>> -> memref<16x128xf32, #tpu.memory_space<hbm>>
    %dma_wait3A_1019 = arith.constant 0 : i32
    %dma_wait3A_1020 = tpu.memref_slice %arg4[%add3A_859, %dma_wait3A_1019] : memref<16384x128xf32, #tpu.memory_space<hbm>> -> memref<16x128xf32, #tpu.memory_space<hbm>>
    tpu.wait_dma2 semaphore(%arg9 : memref<!tpu.dma_semaphore, #tpu.memory_space<semaphore_mem>>) src(%arg6 : memref<16x128xf32, #tpu.memory_space<vmem>>) dst(%dma_wait3A_1020 : memref<16x128xf32, #tpu.memory_space<hbm>>)
    %dma_wait3A_1021 = arith.constant 0 : i32
    %dma_wait3A_1022 = tpu.memref_slice %arg4[%add3A_865, %dma_wait3A_1021] : memref<16384x128xf32, #tpu.memory_space<hbm>> -> memref<16x128xf32, #tpu.memory_space<hbm>>
    %dma_wait3A_1023 = arith.constant 0 : i32
    %dma_wait3A_1024 = tpu.memref_slice %arg4[%add3A_865, %dma_wait3A_1023] : memref<16384x128xf32, #tpu.memory_space<hbm>> -> memref<16x128xf32, #tpu.memory_space<hbm>>
    tpu.wait_dma2 semaphore(%arg9 : memref<!tpu.dma_semaphore, #tpu.memory_space<semaphore_mem>>) src(%arg6 : memref<16x128xf32, #tpu.memory_space<vmem>>) dst(%dma_wait3A_1024 : memref<16x128xf32, #tpu.memory_space<hbm>>)
    %dma_wait3A_1025 = arith.constant 0 : i32
    %dma_wait3A_1026 = tpu.memref_slice %arg4[%add3A_871, %dma_wait3A_1025] : memref<16384x128xf32, #tpu.memory_space<hbm>> -> memref<16x128xf32, #tpu.memory_space<hbm>>
    %dma_wait3A_1027 = arith.constant 0 : i32
    %dma_wait3A_1028 = tpu.memref_slice %arg4[%add3A_871, %dma_wait3A_1027] : memref<16384x128xf32, #tpu.memory_space<hbm>> -> memref<16x128xf32, #tpu.memory_space<hbm>>
    tpu.wait_dma2 semaphore(%arg9 : memref<!tpu.dma_semaphore, #tpu.memory_space<semaphore_mem>>) src(%arg6 : memref<16x128xf32, #tpu.memory_space<vmem>>) dst(%dma_wait3A_1028 : memref<16x128xf32, #tpu.memory_space<hbm>>)
    %dma_wait3A_1029 = arith.constant 0 : i32
    %dma_wait3A_1030 = tpu.memref_slice %arg4[%add3A_877, %dma_wait3A_1029] : memref<16384x128xf32, #tpu.memory_space<hbm>> -> memref<16x128xf32, #tpu.memory_space<hbm>>
    %dma_wait3A_1031 = arith.constant 0 : i32
    %dma_wait3A_1032 = tpu.memref_slice %arg4[%add3A_877, %dma_wait3A_1031] : memref<16384x128xf32, #tpu.memory_space<hbm>> -> memref<16x128xf32, #tpu.memory_space<hbm>>
    tpu.wait_dma2 semaphore(%arg9 : memref<!tpu.dma_semaphore, #tpu.memory_space<semaphore_mem>>) src(%arg6 : memref<16x128xf32, #tpu.memory_space<vmem>>) dst(%dma_wait3A_1032 : memref<16x128xf32, #tpu.memory_space<hbm>>)
    %dma_wait3A_1033 = arith.constant 0 : i32
    %dma_wait3A_1034 = tpu.memref_slice %arg4[%add3A_883, %dma_wait3A_1033] : memref<16384x128xf32, #tpu.memory_space<hbm>> -> memref<16x128xf32, #tpu.memory_space<hbm>>
    %dma_wait3A_1035 = arith.constant 0 : i32
    %dma_wait3A_1036 = tpu.memref_slice %arg4[%add3A_883, %dma_wait3A_1035] : memref<16384x128xf32, #tpu.memory_space<hbm>> -> memref<16x128xf32, #tpu.memory_space<hbm>>
    tpu.wait_dma2 semaphore(%arg9 : memref<!tpu.dma_semaphore, #tpu.memory_space<semaphore_mem>>) src(%arg6 : memref<16x128xf32, #tpu.memory_space<vmem>>) dst(%dma_wait3A_1036 : memref<16x128xf32, #tpu.memory_space<hbm>>)
    %dma_wait3A_1037 = arith.constant 0 : i32
    %dma_wait3A_1038 = tpu.memref_slice %arg4[%add3A_889, %dma_wait3A_1037] : memref<16384x128xf32, #tpu.memory_space<hbm>> -> memref<16x128xf32, #tpu.memory_space<hbm>>
    %dma_wait3A_1039 = arith.constant 0 : i32
    %dma_wait3A_1040 = tpu.memref_slice %arg4[%add3A_889, %dma_wait3A_1039] : memref<16384x128xf32, #tpu.memory_space<hbm>> -> memref<16x128xf32, #tpu.memory_space<hbm>>
    tpu.wait_dma2 semaphore(%arg9 : memref<!tpu.dma_semaphore, #tpu.memory_space<semaphore_mem>>) src(%arg6 : memref<16x128xf32, #tpu.memory_space<vmem>>) dst(%dma_wait3A_1040 : memref<16x128xf32, #tpu.memory_space<hbm>>)
    %dma_wait3A_1041 = arith.constant 0 : i32
    %dma_wait3A_1042 = tpu.memref_slice %arg4[%add3A_895, %dma_wait3A_1041] : memref<16384x128xf32, #tpu.memory_space<hbm>> -> memref<16x128xf32, #tpu.memory_space<hbm>>
    %dma_wait3A_1043 = arith.constant 0 : i32
    %dma_wait3A_1044 = tpu.memref_slice %arg4[%add3A_895, %dma_wait3A_1043] : memref<16384x128xf32, #tpu.memory_space<hbm>> -> memref<16x128xf32, #tpu.memory_space<hbm>>
    tpu.wait_dma2 semaphore(%arg9 : memref<!tpu.dma_semaphore, #tpu.memory_space<semaphore_mem>>) src(%arg6 : memref<16x128xf32, #tpu.memory_space<vmem>>) dst(%dma_wait3A_1044 : memref<16x128xf32, #tpu.memory_space<hbm>>)
    %dma_wait3A_1045 = arith.constant 0 : i32
    %dma_wait3A_1046 = tpu.memref_slice %arg4[%add3A_901, %dma_wait3A_1045] : memref<16384x128xf32, #tpu.memory_space<hbm>> -> memref<16x128xf32, #tpu.memory_space<hbm>>
    %dma_wait3A_1047 = arith.constant 0 : i32
    %dma_wait3A_1048 = tpu.memref_slice %arg4[%add3A_901, %dma_wait3A_1047] : memref<16384x128xf32, #tpu.memory_space<hbm>> -> memref<16x128xf32, #tpu.memory_space<hbm>>
    tpu.wait_dma2 semaphore(%arg9 : memref<!tpu.dma_semaphore, #tpu.memory_space<semaphore_mem>>) src(%arg6 : memref<16x128xf32, #tpu.memory_space<vmem>>) dst(%dma_wait3A_1048 : memref<16x128xf32, #tpu.memory_space<hbm>>)
    %dma_wait3A_1049 = arith.constant 0 : i32
    %dma_wait3A_1050 = tpu.memref_slice %arg4[%add3A_907, %dma_wait3A_1049] : memref<16384x128xf32, #tpu.memory_space<hbm>> -> memref<16x128xf32, #tpu.memory_space<hbm>>
    %dma_wait3A_1051 = arith.constant 0 : i32
    %dma_wait3A_1052 = tpu.memref_slice %arg4[%add3A_907, %dma_wait3A_1051] : memref<16384x128xf32, #tpu.memory_space<hbm>> -> memref<16x128xf32, #tpu.memory_space<hbm>>
    tpu.wait_dma2 semaphore(%arg9 : memref<!tpu.dma_semaphore, #tpu.memory_space<semaphore_mem>>) src(%arg6 : memref<16x128xf32, #tpu.memory_space<vmem>>) dst(%dma_wait3A_1052 : memref<16x128xf32, #tpu.memory_space<hbm>>)
    %dma_wait3A_1053 = arith.constant 0 : i32
    %dma_wait3A_1054 = tpu.memref_slice %arg4[%add3A_913, %dma_wait3A_1053] : memref<16384x128xf32, #tpu.memory_space<hbm>> -> memref<16x128xf32, #tpu.memory_space<hbm>>
    %dma_wait3A_1055 = arith.constant 0 : i32
    %dma_wait3A_1056 = tpu.memref_slice %arg4[%add3A_913, %dma_wait3A_1055] : memref<16384x128xf32, #tpu.memory_space<hbm>> -> memref<16x128xf32, #tpu.memory_space<hbm>>
    tpu.wait_dma2 semaphore(%arg9 : memref<!tpu.dma_semaphore, #tpu.memory_space<semaphore_mem>>) src(%arg6 : memref<16x128xf32, #tpu.memory_space<vmem>>) dst(%dma_wait3A_1056 : memref<16x128xf32, #tpu.memory_space<hbm>>)
    %dma_wait3A_1057 = arith.constant 0 : i32
    %dma_wait3A_1058 = tpu.memref_slice %arg4[%add3A_919, %dma_wait3A_1057] : memref<16384x128xf32, #tpu.memory_space<hbm>> -> memref<16x128xf32, #tpu.memory_space<hbm>>
    %dma_wait3A_1059 = arith.constant 0 : i32
    %dma_wait3A_1060 = tpu.memref_slice %arg4[%add3A_919, %dma_wait3A_1059] : memref<16384x128xf32, #tpu.memory_space<hbm>> -> memref<16x128xf32, #tpu.memory_space<hbm>>
    tpu.wait_dma2 semaphore(%arg9 : memref<!tpu.dma_semaphore, #tpu.memory_space<semaphore_mem>>) src(%arg6 : memref<16x128xf32, #tpu.memory_space<vmem>>) dst(%dma_wait3A_1060 : memref<16x128xf32, #tpu.memory_space<hbm>>)
    %dma_wait3A_1061 = arith.constant 0 : i32
    %dma_wait3A_1062 = tpu.memref_slice %arg4[%add3A_925, %dma_wait3A_1061] : memref<16384x128xf32, #tpu.memory_space<hbm>> -> memref<16x128xf32, #tpu.memory_space<hbm>>
    %dma_wait3A_1063 = arith.constant 0 : i32
    %dma_wait3A_1064 = tpu.memref_slice %arg4[%add3A_925, %dma_wait3A_1063] : memref<16384x128xf32, #tpu.memory_space<hbm>> -> memref<16x128xf32, #tpu.memory_space<hbm>>
    tpu.wait_dma2 semaphore(%arg9 : memref<!tpu.dma_semaphore, #tpu.memory_space<semaphore_mem>>) src(%arg6 : memref<16x128xf32, #tpu.memory_space<vmem>>) dst(%dma_wait3A_1064 : memref<16x128xf32, #tpu.memory_space<hbm>>)
    %dma_wait3A_1065 = arith.constant 0 : i32
    %dma_wait3A_1066 = tpu.memref_slice %arg4[%add3A_931, %dma_wait3A_1065] : memref<16384x128xf32, #tpu.memory_space<hbm>> -> memref<16x128xf32, #tpu.memory_space<hbm>>
    %dma_wait3A_1067 = arith.constant 0 : i32
    %dma_wait3A_1068 = tpu.memref_slice %arg4[%add3A_931, %dma_wait3A_1067] : memref<16384x128xf32, #tpu.memory_space<hbm>> -> memref<16x128xf32, #tpu.memory_space<hbm>>
    tpu.wait_dma2 semaphore(%arg9 : memref<!tpu.dma_semaphore, #tpu.memory_space<semaphore_mem>>) src(%arg6 : memref<16x128xf32, #tpu.memory_space<vmem>>) dst(%dma_wait3A_1068 : memref<16x128xf32, #tpu.memory_space<hbm>>)
    %dma_wait3A_1069 = arith.constant 0 : i32
    %dma_wait3A_1070 = tpu.memref_slice %arg4[%add3A_937, %dma_wait3A_1069] : memref<16384x128xf32, #tpu.memory_space<hbm>> -> memref<16x128xf32, #tpu.memory_space<hbm>>
    %dma_wait3A_1071 = arith.constant 0 : i32
    %dma_wait3A_1072 = tpu.memref_slice %arg4[%add3A_937, %dma_wait3A_1071] : memref<16384x128xf32, #tpu.memory_space<hbm>> -> memref<16x128xf32, #tpu.memory_space<hbm>>
    tpu.wait_dma2 semaphore(%arg9 : memref<!tpu.dma_semaphore, #tpu.memory_space<semaphore_mem>>) src(%arg6 : memref<16x128xf32, #tpu.memory_space<vmem>>) dst(%dma_wait3A_1072 : memref<16x128xf32, #tpu.memory_space<hbm>>)
    %dma_wait3A_1073 = arith.constant 0 : i32
    %dma_wait3A_1074 = tpu.memref_slice %arg4[%add3A_943, %dma_wait3A_1073] : memref<16384x128xf32, #tpu.memory_space<hbm>> -> memref<16x128xf32, #tpu.memory_space<hbm>>
    %dma_wait3A_1075 = arith.constant 0 : i32
    %dma_wait3A_1076 = tpu.memref_slice %arg4[%add3A_943, %dma_wait3A_1075] : memref<16384x128xf32, #tpu.memory_space<hbm>> -> memref<16x128xf32, #tpu.memory_space<hbm>>
    tpu.wait_dma2 semaphore(%arg9 : memref<!tpu.dma_semaphore, #tpu.memory_space<semaphore_mem>>) src(%arg6 : memref<16x128xf32, #tpu.memory_space<vmem>>) dst(%dma_wait3A_1076 : memref<16x128xf32, #tpu.memory_space<hbm>>)
    %dma_wait3A_1077 = arith.constant 0 : i32
    %dma_wait3A_1078 = tpu.memref_slice %arg4[%add3A_949, %dma_wait3A_1077] : memref<16384x128xf32, #tpu.memory_space<hbm>> -> memref<16x128xf32, #tpu.memory_space<hbm>>
    %dma_wait3A_1079 = arith.constant 0 : i32
    %dma_wait3A_1080 = tpu.memref_slice %arg4[%add3A_949, %dma_wait3A_1079] : memref<16384x128xf32, #tpu.memory_space<hbm>> -> memref<16x128xf32, #tpu.memory_space<hbm>>
    tpu.wait_dma2 semaphore(%arg9 : memref<!tpu.dma_semaphore, #tpu.memory_space<semaphore_mem>>) src(%arg6 : memref<16x128xf32, #tpu.memory_space<vmem>>) dst(%dma_wait3A_1080 : memref<16x128xf32, #tpu.memory_space<hbm>>)
    return
  }
}

</mosaic_0001>

<sc_bundles>
// kernel: kernel.3.cloned.1.call-start
scs
__scs_entry_jumppad:
0x0: {  	(pc) =	sbr.rel $0x88, $3  }
0x1: {  	(tag) =	ssettag $0x0;
	lr =	simm.s32 $0x1  }
0x2: {  	[smem:$0x3F9F] =	sst lr;
	_ =	strace $0xD0000000  }
0x3: {  	_ = 	snop  }
0x4: {  	_ = 	snop  }
0x5: {  	_ = 	snop  }
0x6: {  	_ = 	snop  }
0x7: {  	_ = 	snop  }
__scs_overlays_trampoline_lowered:
0x8: {  	[smem:$0x3FAE] =	sst s0  }
0x9: {  	[smem:$0x3FAF] =	sst s1  }
0xa: {  	[smem:$0x3FB0] =	sst s2  }
0xb: {  	[smem:$0x3FB1] =	sst s3  }
0xc: {  	[smem:$0x3FB2] =	sst s4  }
0xd: {  	[smem:$0x3FB3] =	sst s5  }
0xe: {  	[smem:$0x3FB4] =	sst s6  }
0xf: {  	[smem:$0x3FB5] =	sst s7  }
0x10: {  	[smem:$0x3FB6] =	sst s8  }
0x11: {  	[smem:$0x3FB7] =	sst s9;
	s0 =	simm.s32 @!p0 $0x0  }
0x12: {  	s1 =	sld [smem:$0x3F9D];
	s0 =	simm.s32 @p0 $0x1  }
0x13: {  	[smem:$0x3FB8] =	sst s0;
	s0 =	simm.s32 @!p1 $0x0  }
0x14: {  	s2 =	sld [smem:$0x3F9C];
	s0 =	simm.s32 @p1 $0x1  }
0x15: {  	[smem:$0x3FB9] =	sst s0;
	s0 =	simm.s32 @!p2 $0x0  }
0x16: {  	s3 =	sld [smem:$0x3FDB];
	s0 =	simm.s32 @p2 $0x1  }
0x17: {  	s4 =	simm.s32 $0x1BF5;
	[smem:$0x3FBB] =	sst s0  }
0x18: {  	s0 =	sld [smem:$0x3F9E];
	_ =	swait.ge [sflag:s4], $0x0  }
0x19: {  	s7 =	sld [smem:$0x3F9F]  }
0x1a: {  	s8 =	sadd.s32 $0xFFFFE003, lr  }
0x1b: {  	s9 =	sadd.s32 $0xFFFFFEF7, lr;
	s5 =	simm.s32 $0xFFFFFFFF;
	p2 =	slt.u32 s8, $0xFFFFF086  }
0x1c: {  	p1 =	slt.u32 s9, $0xF7A;
	s5 =	simm.s32 @!p2 $0x0  }
0x1d: {  	s5 =	simm.s32 @p1 $0x1;
	p0 =	seq.s32 s7, s2  }
0x1e: {  	s7 =	smul.u32 @!p0 $0xF7A, s2;
	p2 =	seq.s32 @!p0 s5, $0x0  }
0x1f: {  	s9 =	smul.u32 $0xF7A, s1;
	s8 =	simm.s32 @!p0 $0x1BF5;
	p2 =	por !p2, p0  }
0x20: {  	[sflag:s8] =	ssyncset.s32 @!p0 $0xFFFFF086;
	s6 =	sadd.s32 @!p0 s3, s7;
	s7 =	simm.s32 @!p0 $0x108  }
0x21: {  	s3 =	sadd.s32 s3, s9;
	s6 =	sadd.s32 @!p0 $0x88, s6;
	s7 =	simm.s32 @p2 $0x1082  }
0x22: {  	[simem:s7], [sflag:s8] =	dma.local @!p0 [hbm:s6], $0xF7A  }
0x23: {  	s9 =	sor.u32 $0xD0000000, s2;
	s6 =	simm.s32 $0x108;
	_ =	swait.ge @!p0 [sflag:s8], $0x0  }
0x24: {  	s3 =	sadd.s32 $0x88, s3;
	s6 =	simm.s32 @!p1 $0x1082;
	[sflag:s4] =	ssyncset.s32 $0xFFFFF086  }
0x25: {  	[simem:s6], [sflag:s4] =	dma.local [hbm:s3], $0xF7A  }
0x26: {  	[smem:$0x3F9F] =	sst s1;
	(tag) =	ssettag s2;
	_ =	strace s9  }
0x27: {  	s1 =	sld [smem:$0x3FAF]  }
0x28: {  	s2 =	sld [smem:$0x3FB0]  }
0x29: {  	s4 =	sld [smem:$0x3FB2]  }
0x2a: {  	p0 =	seq.s32 s5, $0x0;
	s5 =	sld [smem:$0x3FB3]  }
0x2b: {  	s6 =	sld [smem:$0x3FB4]  }
0x2c: {  	s7 =	sld [smem:$0x3FB5]  }
0x2d: {  	s3 =	simm.s32 $0x108;
	s8 =	sld [smem:$0x3FB6]  }
0x2e: {  	s3 =	simm.s32 @!p0 $0x1082;
	s9 =	sld [smem:$0x3FB7]  }
0x2f: {  	lr =	sadd.s32 s0, s3;
	s0 =	sld [smem:$0x3FAE]  }
0x30: {  	s3 =	sld [smem:$0x3FB1]  }
0x31: {  	[smem:$0x3FBA] =	sst s10  }
0x32: {  	s10 =	sld [smem:$0x3FB8];
	_ =	sdelay $0x3  }
0x33: {  	p0 =	seq.s32 s10, $0x1;
	s10 =	sld [smem:$0x3FBA];
	_ =	sdelay $0x3  }
0x34: {  	[smem:$0x3FBA] =	sst s10  }
0x35: {  	s10 =	sld [smem:$0x3FB9];
	_ =	sdelay $0x3  }
0x36: {  	p1 =	seq.s32 s10, $0x1;
	s10 =	sld [smem:$0x3FBA];
	_ =	sdelay $0x3  }
0x37: {  	[smem:$0x3FBA] =	sst s10  }
0x38: {  	s10 =	sld [smem:$0x3FBB]  }
0x39: {  	_ = 	snop;
	(pc) =	sbr.ind lr, $3  }
0x3a: {  	_ = 	snop  }
0x3b: {  	_ = 	snop  }
0x3c: {  	p2 =	seq.s32 s10, $0x1;
	s10 =	sld [smem:$0x3FBA]  }
0x3d: {  	_ =	shalt  }
0x3e: {  	_ =	shalt  }
0x3f: {  	_ =	shalt  }
0x40: {  	_ =	shalt  }
0x41: {  	_ =	shalt  }
0x42: {  	_ =	shalt  }
0x43: {  	_ =	shalt  }
0x44: {  	_ =	shalt  }
0x45: {  	_ =	shalt  }
0x46: {  	_ =	shalt  }
0x47: {  	_ =	shalt  }
0x48: {  	_ =	shalt  }
0x49: {  	_ =	shalt  }
0x4a: {  	_ =	shalt  }
0x4b: {  	_ =	shalt  }
0x4c: {  	_ =	shalt  }
0x4d: {  	_ =	shalt  }
0x4e: {  	_ =	shalt  }
0x4f: {  	_ =	shalt  }
0x50: {  	_ =	shalt  }
0x51: {  	_ =	shalt  }
0x52: {  	_ =	shalt  }
0x53: {  	_ =	shalt  }
0x54: {  	_ =	shalt  }
0x55: {  	_ =	shalt  }
0x56: {  	_ =	shalt  }
0x57: {  	_ =	shalt  }
0x58: {  	_ =	shalt  }
0x59: {  	_ =	shalt  }
0x5a: {  	_ =	shalt  }
0x5b: {  	_ =	shalt  }
0x5c: {  	_ =	shalt  }
0x5d: {  	_ =	shalt  }
0x5e: {  	_ =	shalt  }
0x5f: {  	_ =	shalt  }
0x60: {  	_ =	shalt  }
0x61: {  	_ =	shalt  }
0x62: {  	_ =	shalt  }
0x63: {  	_ =	shalt  }
0x64: {  	_ =	shalt  }
0x65: {  	_ =	shalt  }
0x66: {  	_ =	shalt  }
0x67: {  	_ =	shalt  }
0x68: {  	_ =	shalt  }
0x69: {  	_ =	shalt  }
0x6a: {  	_ =	shalt  }
0x6b: {  	_ =	shalt  }
0x6c: {  	_ =	shalt  }
0x6d: {  	_ =	shalt  }
0x6e: {  	_ =	shalt  }
0x6f: {  	_ =	shalt  }
0x70: {  	_ =	shalt  }
0x71: {  	_ =	shalt  }
0x72: {  	_ =	shalt  }
0x73: {  	_ =	shalt  }
0x74: {  	_ =	shalt  }
0x75: {  	_ =	shalt  }
0x76: {  	_ =	shalt  }
0x77: {  	_ =	shalt  }
0x78: {  	_ =	shalt  }
0x79: {  	_ =	shalt  }
0x7a: {  	_ =	shalt  }
0x7b: {  	_ =	shalt  }
0x7c: {  	_ =	shalt  }
0x7d: {  	_ =	shalt  }
0x7e: {  	_ =	shalt  }
0x7f: {  	_ =	shalt  }
0x80: {  	_ =	shalt  }
0x81: {  	_ =	shalt  }
0x82: {  	_ =	shalt  }
0x83: {  	_ =	shalt  }
0x84: {  	_ =	shalt  }
0x85: {  	_ =	shalt  }
0x86: {  	_ =	shalt  }
0x87: {  	_ =	shalt  }
.Lfunc_end0:
.L_simem_size_0:
called_computation_lowered:
.L_overlay_start_0:
0x88: {  	s2 =	sld [smem:$0x3FD9]  }
0x89: {  	s3 =	sld [smem:$0x3FFE];
	_ =	sdelay $0x1  }
0x8a: {  	s1 =	srdreg.scid  }
0x8b: {  	s0 =	sand.u32 $0x1, s1  }
0x8c: {  	s18 =	sshll.u32 s0, $0xA;
	s2 =	sadd.s32 s3, s2  }
0x8d: {  	s2 =	sadd.s32 s2, s18  }
0x8e: {  	[smem:$0x3FC6] =	sst s2  }
0x8f: {  	_ = 	snop  }
0x90: {  	s2 =	sld [smem:$0x3FC9]  }
0x91: {  	s19 =	sld [smem:$0x3FC8]  }
0x92: {  	s4 =	sld [smem:$0x3FD0];
	(tm) =	ssettm $0x1  }
0x93: {  	s5 =	sld [smem:$0x3FFB];
	_ =	sdelay $0x3  }
0x94: {  	_ =	strace s5  }
0x95: {  	s5 =	sld [smem:$0x3FFC];
	_ =	sdelay $0x3  }
0x96: {  	_ =	strace s5  }
0x97: {  	s5 =	sld [smem:$0x3FFD];
	_ =	sdelay $0x3  }
0x98: {  	_ =	strace s5  }
0x99: {  	_ =	strace $0x8FFFFFFF  }
0x9a: {  	s20 =	sld [smem:$0x3FDB];
	_ =	sdelay $0x1  }
0x9b: {  	s6 =	simm.s32 $_scs_section_size  }
0x9c: {  	s7 =	simm.s32 $_size__tile_overlayer_lowered;
	s8 =	simm.s32 $_tile_overlayer_lowered  }
0x9d: {  	s23 =	simm.s32 $0x1BFF;
	s22 =	sshll.u32 s8, $0x1;
	s5 =	sadd.s32 s6, s20  }
0x9e: {  	s9 =	simm.s32 $0x0;
	s21 =	sshll.u32 s7, $0x1;
	s7 =	sadd.s32 s22, s5  }
0x9f: {  	[timem:s9], [sflag:s23] =	dma.local [hbm:s7], s21  }
0xa0: {  	_ =	swait.ge [sflag:s23], s21  }
0xa1: {  	s6 =	ssub.s32 $0x0, s21;
	[sflag:s23] =	ssyncset.done $0x0  }
0xa2: {  	[sflag:s23] =	ssyncadd.s32 s6;
	_ =	sdelay $0x1  }
0xa3: {  	s24 =	simm.s32 $0x1B8B  }
0xa4: {  	_ =	swait.ge [sflag:s24], $0x1  }
0xa5: {  	[sflag:s24] =	ssyncset.done $0x0  }
0xa6: {  	s25 =	simm.s32 $0x1B8E;
	[sflag:s24] =	ssyncadd.s32 $0xFFFFFFFF  }
0xa7: {  	s26 =	simm.s32 $execute0_lowered;
	[smem:$0x3FD2] =	sst s25  }
0xa8: {  	s6 =	sshll.u32 s26, $0x1;
	_ =	strace $0x80000046;
	[dreg:$0x1] =	wrdreg $0xFFFFFFFF  }
0xa9: {  	s28 =	simm.s32 $_size_execute0_lowered;
	s5 =	sadd.s32 s5, s6;
	[dreg:$0x0] =	wrdreg $0x0  }
0xaa: {  	s6 =	sshll.u32 s28, $0x1;
	[dreg:$0x2] =	wrdreg s5  }
0xab: {  	[dreg:$0x3] =	wrdreg s6  }
0xac: {  	[dreg:$0x4] =	wrdreg $0xC0  }
0xad: {  	_ =	task [dreg:s9], $0x5FFFF  }
0xae: {  	[dreg:$0x1] =	wrdreg $0xFFFFFFFF  }
0xaf: {  	[dreg:$0x0] =	wrdreg $0x60  }
0xb0: {  	[dreg:$0x2] =	wrdreg s2  }
0xb1: {  	[dreg:$0x3] =	wrdreg s19  }
0xb2: {  	[dreg:$0x4] =	wrdreg s4  }
0xb3: {  	[dreg:$0x5] =	wrdreg $0x8800  }
0xb4: {  	[dreg:$0x6] =	wrdreg $0x9  }
0xb5: {  	_ =	task.clear_ibuf [dreg:s9], $0x7FFFF;
	_ =	strace $0x90000046  }
0xb6: {  	s29 =	simm.s32 $0x9;
	_ =	strace $0x80000048  }
0xb7: {  	_ =	swait.ge [sflag:s29], $0x1  }
0xb8: {  	[sflag:s29] =	ssyncadd.s32 $0xFFFFFFFF  }
0xb9: {  	_ =	strace $0x90000048  }
0xba: {  	_ =	sfence  }
0xbb: {  	s30 =	sld [smem:$0x0];
	_ =	sdelay $0x2  }
0xbc: {  	s31 =	sshll.u32 s1, $0xD;
	s1 =	sshrl.u32 s1, $0x2  }
0xbd: {  	s3 =	sand.u32 $0x4000, s31;
	s1 =	sadd.s32 s1, s30  }
0xbe: {  	s0 =	sor.u32 s3, s0;
	s1 =	sshll.u32 s1, $0x11  }
0xbf: {  	s0 =	sor.u32 s1, s0  }
0xc0: {  	s0 =	sadd.s32 $0x8F2B, s0  }
0xc1: {  	[sflag:s0] =	ssyncadd.remote.s32 $0x1  }
0xc2: {  	_ =	sfence.sel $0xFFFF  }
0xc3: {  	[dreg:$0x0] =	wrdreg $0xFFFFFFFF;
	(pc) =	sbr.abs _section_cstart, $3  }
0xc4: {  	[dreg:$0x1] =	wrdreg $0xFFFFFFFF  }
0xc5: {  	_ =	task.clear_ibuf [dreg:s9], $0x2FFFF;
	_ =	strace $0x9FFFFFFF  }
0xc6: {  	(tm) =	ssettm $0x7FFFFFFF  }
0xc7: {  	_ =	shalt  }
tec
execute0_lowered:
.L_overlay_start_1:
0x0: {  	(tag) =	ssettag $0x1  }
0x1: {  	s0 =	rddreg [dreg:$0x0]  }
0x2: {  	s16 =	rddreg [dreg:$0x1]  }
0x3: {  	s3 =	rddreg [dreg:$0x2]  }
0x4: {  	s17 =	srdreg.scid;
	s1 =	rddreg [dreg:$0x3]  }
0x5: {  	s24 =	stileid.u32;
	[dreg:$0x5] =	wrdreg s0  }
0x6: {  	s2 =	simm.s32 $0x0;
	[dreg:$0x6] =	wrdreg s16;
	s4 =	sand.u32 $0x1, s17  }
0x7: {  	s5 =	sshll.u32 s24, $0xE;
	[smem:$0x7FF] =	sst s2;
	s6 =	sshll.u32 s4, $0xD  }
0x8: {  	p0 =	sne.s32 s24, $0x0;
	s24 =	simm.s32 $0x80;
	s5 =	sor.u32 s6, s5  }
0x9: {  	_ =	strace $0x80000047;
	s4 =	ssub.s32 $0x2, s4;
	s3 =	sadd.s32 s3, s5  }
0xa: {  	s30 =	sshrl.u32 s4, $0x1;
	s5 =	sadd.s32 $0x100, s3;
	s18 =	sadd.s32 $0x200, s3  }
0xb: {  	s19 =	sadd.s32 $0x300, s3;
	s20 =	sadd.s32 $0x400, s3;
	[dreg:$0x7] =	wrdreg s5  }
0xc: {  	s21 =	sadd.s32 $0x500, s3;
	s22 =	sadd.s32 $0x600, s3;
	[dreg:$0x8] =	wrdreg s18  }
0xd: {  	s23 =	sadd.s32 $0x700, s3;
	s25 =	sadd.s32 $0x800, s3;
	[dreg:$0x9] =	wrdreg s19  }
0xe: {  	s26 =	sadd.s32 $0x900, s3;
	s28 =	sadd.s32 $0xA00, s3;
	[dreg:$0xa] =	wrdreg s20  }
0xf: {  	s29 =	sadd.s32 $0xB00, s3;
	s31 =	sadd.s32 $0xC00, s3;
	[dreg:$0xb] =	wrdreg s21  }
0x10: {  	s6 =	sadd.s32 $0xF00, s3;
	s7 =	sadd.s32 $0x1000, s3;
	[dreg:$0xc] =	wrdreg s22  }
0x11: {  	s8 =	sadd.s32 $0x1100, s3;
	s9 =	sadd.s32 $0x1200, s3;
	[dreg:$0xd] =	wrdreg s23  }
0x12: {  	s10 =	sadd.s32 $0x1300, s3;
	s11 =	sadd.s32 $0x1400, s3;
	[dreg:$0xe] =	wrdreg s25  }
0x13: {  	s12 =	sadd.s32 $0x1500, s3;
	s13 =	sadd.s32 $0x1600, s3;
	[dreg:$0xf] =	wrdreg s26  }
0x14: {  	s14 =	sadd.s32 $0x1700, s3;
	s15 =	sadd.s32 $0x1800, s3;
	[dreg:$0x10] =	wrdreg s28  }
0x15: {  	s16 =	sadd.s32 $0x1900, s3;
	s17 =	sadd.s32 $0x1A00, s3;
	[dreg:$0x11] =	wrdreg s29  }
0x16: {  	s23 =	ssub.s32 s4, s30;
	[dreg:$0x12] =	wrdreg s31;
	s4 =	sadd.s32 $0xD00, s3  }
0x17: {  	s5 =	sadd.s32 $0xE00, s3;
	s18 =	sadd.s32 $0x1B00, s3;
	s19 =	sadd.s32 $0x1C00, s3  }
0x18: {  	s20 =	sadd.s32 $0x1D00, s3;
	s21 =	sadd.s32 $0x1E00, s3;
	s22 =	sadd.s32 $0x1F00, s3  }
0x19: {  	s25 =	simm.s32 $0x3;
	s26 =	simm.s32 $0x2;
	s23 =	smax.u32 s23, $0x1  }
.LBB2_1:
0x1a: {  	s28 =	rddreg [dreg:$0x6];
	s29 =	simm.s32 @!p0 $0x0  }
0x1b: {  	[tilespmem:s29], [sflag:$0x3] =	stream.linear.gather @!p0 [hbm4b:s28+s29], $0x80, $0x38;
	[tilespmem:$0x888] =	vst v63  }
0x1c: {  	s28 =	simm.s32 @!p0 $0x3  }
0x1d: {  	_ =	swait.ge @!p0 [sflag:s28], $0x80  }
0x1e: {  	s31 =	simm.s32 @!p0 $0x1;
	[sflag:s28] =	ssyncset.done @!p0 $0x0  }
0x1f: {  	s0 =	simm.s32 @!p0 $0x80;
	s30 =	rddreg [dreg:$0x5];
	[sflag:s28] =	ssyncadd.s32 @!p0 $0xFFFFFF80  }
0x20: {  	[tilespmem:s0], [sflag:$0x1] =	stream.indirect.gather @!p0 [hbm4b:s30+s31], $0x80, s29, s31, $0xb8;
	[tilespmem:$0x888] =	vst v63  }
0x21: {  	_ =	swait.ge @!p0 [sflag:s31], $0x80  }
0x22: {  	[sflag:s31] =	ssyncset.done @!p0 $0x0  }
0x23: {  	[sflag:s31] =	ssyncadd.s32 @!p0 $0xFFFFFF80  }
0x24: {  	[spmem:s1] =	stream.linear.scatter @!p0 [tilespmem:s0], [sflag:$0x3], $0x80, $0x38;
	[tilespmem:$0x888] =	vst v63  }
0x25: {  	_ =	swait.ge @!p0 [sflag:s28], $0x80  }
0x26: {  	[sflag:s28] =	ssyncset.done @!p0 $0x0  }
0x27: {  	[sflag:s28] =	ssyncadd.s32 @!p0 $0xFFFFFF80  }
0x28: {  	[bflag:$0x0] =	sbarrier.arrive $0xFFFF  }
0x29: {  	[tilespmem:s24], [sflag:$0x3] =	stream.linear.gather [spmem:s1], $0x80, $0x38;
	[tilespmem:$0x888] =	vst v63  }
0x2a: {  	_ =	swait.ge [sflag:s25], $0x80  }
0x2b: {  	[sflag:s25] =	ssyncset.done $0x0  }
0x2c: {  	[sflag:s25] =	ssyncadd.s32 $0xFFFFFF80  }
0x2d: {  	v0 =	vld [tilespmem:$0x80]  }
0x2e: {  	v1 =	vld [tilespmem:$0x90]  }
0x2f: {  	v2 =	vld [tilespmem:$0xA0]  }
0x30: {  	v3 =	vld [tilespmem:$0xB0]  }
0x31: {  	v4 =	vld [tilespmem:$0xC0]  }
0x32: {  	v5 =	vld [tilespmem:$0xD0];
	[tilespmem:$0x100] =	vst v0  }
0x33: {  	v6 =	vld [tilespmem:$0xE0];
	[tilespmem:$0x110] =	vst v1  }
0x34: {  	v7 =	vld [tilespmem:$0xF0];
	[tilespmem:$0x120] =	vst v2  }
0x35: {  	[tilespmem:$0x130] =	vst v3  }
0x36: {  	[tilespmem:$0x140] =	vst v4  }
0x37: {  	[tilespmem:$0x150] =	vst v5  }
0x38: {  	[tilespmem:$0x160] =	vst v6  }
0x39: {  	[tilespmem:$0x170] =	vst v7  }
0x3a: {  	[tilespmem:$0x180] =	vst v0  }
0x3b: {  	[tilespmem:$0x190] =	vst v1  }
0x3c: {  	[tilespmem:$0x1A0] =	vst v2  }
0x3d: {  	[tilespmem:$0x1B0] =	vst v3  }
0x3e: {  	[tilespmem:$0x1C0] =	vst v4  }
0x3f: {  	[tilespmem:$0x1D0] =	vst v5  }
0x40: {  	[tilespmem:$0x1E0] =	vst v6  }
0x41: {  	[tilespmem:$0x1F0] =	vst v7  }
0x42: {  	[tilespmem:$0x200] =	vst v0  }
0x43: {  	[tilespmem:$0x210] =	vst v1  }
0x44: {  	[tilespmem:$0x220] =	vst v2  }
0x45: {  	[tilespmem:$0x230] =	vst v3  }
0x46: {  	[tilespmem:$0x240] =	vst v4  }
0x47: {  	[tilespmem:$0x250] =	vst v5  }
0x48: {  	[tilespmem:$0x260] =	vst v6  }
0x49: {  	[tilespmem:$0x270] =	vst v7  }
0x4a: {  	[tilespmem:$0x280] =	vst v0  }
0x4b: {  	[tilespmem:$0x290] =	vst v1  }
0x4c: {  	[tilespmem:$0x2A0] =	vst v2  }
0x4d: {  	[tilespmem:$0x2B0] =	vst v3  }
0x4e: {  	[tilespmem:$0x2C0] =	vst v4  }
0x4f: {  	[tilespmem:$0x2D0] =	vst v5  }
0x50: {  	[tilespmem:$0x2E0] =	vst v6  }
0x51: {  	[tilespmem:$0x2F0] =	vst v7  }
0x52: {  	[tilespmem:$0x300] =	vst v0  }
0x53: {  	[tilespmem:$0x310] =	vst v1  }
0x54: {  	[tilespmem:$0x320] =	vst v2  }
0x55: {  	[tilespmem:$0x330] =	vst v3  }
0x56: {  	[tilespmem:$0x340] =	vst v4  }
0x57: {  	[tilespmem:$0x350] =	vst v5  }
0x58: {  	[tilespmem:$0x360] =	vst v6  }
0x59: {  	[tilespmem:$0x370] =	vst v7  }
0x5a: {  	[tilespmem:$0x380] =	vst v0  }
0x5b: {  	[tilespmem:$0x390] =	vst v1  }
0x5c: {  	[tilespmem:$0x3A0] =	vst v2  }
0x5d: {  	[tilespmem:$0x3B0] =	vst v3  }
0x5e: {  	[tilespmem:$0x3C0] =	vst v4  }
0x5f: {  	[tilespmem:$0x3D0] =	vst v5  }
0x60: {  	[tilespmem:$0x3E0] =	vst v6  }
0x61: {  	[tilespmem:$0x3F0] =	vst v7  }
0x62: {  	[tilespmem:$0x400] =	vst v0  }
0x63: {  	[tilespmem:$0x410] =	vst v1  }
0x64: {  	[tilespmem:$0x420] =	vst v2  }
0x65: {  	[tilespmem:$0x430] =	vst v3  }
0x66: {  	[tilespmem:$0x440] =	vst v4  }
0x67: {  	[tilespmem:$0x450] =	vst v5  }
0x68: {  	[tilespmem:$0x460] =	vst v6  }
0x69: {  	[tilespmem:$0x470] =	vst v7  }
0x6a: {  	[tilespmem:$0x480] =	vst v0  }
0x6b: {  	[tilespmem:$0x490] =	vst v1  }
0x6c: {  	[tilespmem:$0x4A0] =	vst v2  }
0x6d: {  	[tilespmem:$0x4B0] =	vst v3  }
0x6e: {  	[tilespmem:$0x4C0] =	vst v4  }
0x6f: {  	[tilespmem:$0x4D0] =	vst v5  }
0x70: {  	[tilespmem:$0x4E0] =	vst v6  }
0x71: {  	[tilespmem:$0x4F0] =	vst v7  }
0x72: {  	[tilespmem:$0x500] =	vst v0  }
0x73: {  	[tilespmem:$0x510] =	vst v1  }
0x74: {  	[tilespmem:$0x520] =	vst v2  }
0x75: {  	[tilespmem:$0x530] =	vst v3  }
0x76: {  	[tilespmem:$0x540] =	vst v4  }
0x77: {  	[tilespmem:$0x550] =	vst v5  }
0x78: {  	[tilespmem:$0x560] =	vst v6  }
0x79: {  	[tilespmem:$0x570] =	vst v7  }
0x7a: {  	[tilespmem:$0x580] =	vst v0  }
0x7b: {  	[tilespmem:$0x590] =	vst v1  }
0x7c: {  	[tilespmem:$0x5A0] =	vst v2  }
0x7d: {  	[tilespmem:$0x5B0] =	vst v3  }
0x7e: {  	[tilespmem:$0x5C0] =	vst v4  }
0x7f: {  	[tilespmem:$0x5D0] =	vst v5  }
0x80: {  	[tilespmem:$0x5E0] =	vst v6  }
0x81: {  	[tilespmem:$0x5F0] =	vst v7  }
0x82: {  	[tilespmem:$0x600] =	vst v0  }
0x83: {  	[tilespmem:$0x610] =	vst v1  }
0x84: {  	[tilespmem:$0x620] =	vst v2  }
0x85: {  	[tilespmem:$0x630] =	vst v3  }
0x86: {  	[tilespmem:$0x640] =	vst v4  }
0x87: {  	[tilespmem:$0x650] =	vst v5  }
0x88: {  	[tilespmem:$0x660] =	vst v6  }
0x89: {  	[tilespmem:$0x670] =	vst v7  }
0x8a: {  	[tilespmem:$0x680] =	vst v0  }
0x8b: {  	[tilespmem:$0x690] =	vst v1  }
0x8c: {  	[tilespmem:$0x6A0] =	vst v2  }
0x8d: {  	[tilespmem:$0x6B0] =	vst v3  }
0x8e: {  	[tilespmem:$0x6C0] =	vst v4  }
0x8f: {  	[tilespmem:$0x6D0] =	vst v5  }
0x90: {  	[tilespmem:$0x6E0] =	vst v6  }
0x91: {  	[tilespmem:$0x6F0] =	vst v7  }
0x92: {  	[tilespmem:$0x700] =	vst v0  }
0x93: {  	[tilespmem:$0x710] =	vst v1  }
0x94: {  	[tilespmem:$0x720] =	vst v2  }
0x95: {  	[tilespmem:$0x730] =	vst v3  }
0x96: {  	[tilespmem:$0x740] =	vst v4  }
0x97: {  	[tilespmem:$0x750] =	vst v5  }
0x98: {  	[tilespmem:$0x760] =	vst v6  }
0x99: {  	[tilespmem:$0x770] =	vst v7  }
0x9a: {  	[tilespmem:$0x780] =	vst v0  }
0x9b: {  	[tilespmem:$0x790] =	vst v1  }
0x9c: {  	[tilespmem:$0x7A0] =	vst v2  }
0x9d: {  	[tilespmem:$0x7B0] =	vst v3  }
0x9e: {  	[tilespmem:$0x7C0] =	vst v4  }
0x9f: {  	[tilespmem:$0x7D0] =	vst v5  }
0xa0: {  	[tilespmem:$0x7E0] =	vst v6  }
0xa1: {  	[tilespmem:$0x7F0] =	vst v7  }
0xa2: {  	[tilespmem:$0x800] =	vst v0  }
0xa3: {  	[tilespmem:$0x810] =	vst v1  }
0xa4: {  	[tilespmem:$0x820] =	vst v2  }
0xa5: {  	[tilespmem:$0x830] =	vst v3  }
0xa6: {  	[tilespmem:$0x840] =	vst v4  }
0xa7: {  	[tilespmem:$0x850] =	vst v5  }
0xa8: {  	[tilespmem:$0x860] =	vst v6  }
0xa9: {  	[tilespmem:$0x870] =	vst v7  }
0xaa: {  	[hbm4b:s3+s2] =	stream.linear.scatter [tilespmem:s24], [sflag:$0x2], $0x800, $0x38;
	[tilespmem:$0x888] =	vst v63  }
0xab: {  	s29 =	rddreg [dreg:$0x7]  }
0xac: {  	[hbm4b:s29+s2] =	stream.linear.scatter [tilespmem:s24], [sflag:$0x2], $0x800, $0x38;
	[tilespmem:$0x888] =	vst v63  }
0xad: {  	s30 =	rddreg [dreg:$0x8]  }
0xae: {  	[hbm4b:s30+s2] =	stream.linear.scatter [tilespmem:s24], [sflag:$0x2], $0x800, $0x38;
	[tilespmem:$0x888] =	vst v63  }
0xaf: {  	s31 =	rddreg [dreg:$0x9]  }
0xb0: {  	[hbm4b:s31+s2] =	stream.linear.scatter [tilespmem:s24], [sflag:$0x2], $0x800, $0x38;
	[tilespmem:$0x888] =	vst v63  }
0xb1: {  	s29 =	rddreg [dreg:$0xa]  }
0xb2: {  	[hbm4b:s29+s2] =	stream.linear.scatter [tilespmem:s24], [sflag:$0x2], $0x800, $0x38;
	[tilespmem:$0x888] =	vst v63  }
0xb3: {  	s30 =	rddreg [dreg:$0xb]  }
0xb4: {  	[hbm4b:s30+s2] =	stream.linear.scatter [tilespmem:s24], [sflag:$0x2], $0x800, $0x38;
	[tilespmem:$0x888] =	vst v63  }
0xb5: {  	s31 =	rddreg [dreg:$0xc]  }
0xb6: {  	[hbm4b:s31+s2] =	stream.linear.scatter [tilespmem:s24], [sflag:$0x2], $0x800, $0x38;
	[tilespmem:$0x888] =	vst v63  }
0xb7: {  	s29 =	rddreg [dreg:$0xd]  }
0xb8: {  	[hbm4b:s29+s2] =	stream.linear.scatter [tilespmem:s24], [sflag:$0x2], $0x800, $0x38;
	[tilespmem:$0x888] =	vst v63  }
0xb9: {  	s30 =	rddreg [dreg:$0xe]  }
0xba: {  	[hbm4b:s30+s2] =	stream.linear.scatter [tilespmem:s24], [sflag:$0x2], $0x800, $0x38;
	[tilespmem:$0x888] =	vst v63  }
0xbb: {  	s31 =	rddreg [dreg:$0xf]  }
0xbc: {  	[hbm4b:s31+s2] =	stream.linear.scatter [tilespmem:s24], [sflag:$0x2], $0x800, $0x38;
	[tilespmem:$0x888] =	vst v63  }
0xbd: {  	s29 =	rddreg [dreg:$0x10]  }
0xbe: {  	[hbm4b:s29+s2] =	stream.linear.scatter [tilespmem:s24], [sflag:$0x2], $0x800, $0x38;
	[tilespmem:$0x888] =	vst v63  }
0xbf: {  	s30 =	rddreg [dreg:$0x11]  }
0xc0: {  	[hbm4b:s30+s2] =	stream.linear.scatter [tilespmem:s24], [sflag:$0x2], $0x800, $0x38;
	[tilespmem:$0x888] =	vst v63  }
0xc1: {  	s31 =	rddreg [dreg:$0x12]  }
0xc2: {  	[hbm4b:s31+s2] =	stream.linear.scatter [tilespmem:s24], [sflag:$0x2], $0x800, $0x38;
	[tilespmem:$0x888] =	vst v63  }
0xc3: {  	_ = 	snop  }
0xc4: {  	[hbm4b:s4+s2] =	stream.linear.scatter [tilespmem:s24], [sflag:$0x2], $0x800, $0x38;
	[tilespmem:$0x888] =	vst v63  }
0xc5: {  	_ = 	snop  }
0xc6: {  	[hbm4b:s5+s2] =	stream.linear.scatter [tilespmem:s24], [sflag:$0x2], $0x800, $0x38;
	[tilespmem:$0x888] =	vst v63  }
0xc7: {  	_ = 	snop  }
0xc8: {  	[hbm4b:s6+s2] =	stream.linear.scatter [tilespmem:s24], [sflag:$0x2], $0x800, $0x38;
	[tilespmem:$0x888] =	vst v63  }
0xc9: {  	_ = 	snop  }
0xca: {  	[hbm4b:s7+s2] =	stream.linear.scatter [tilespmem:s24], [sflag:$0x2], $0x800, $0x38;
	[tilespmem:$0x888] =	vst v63  }
0xcb: {  	_ = 	snop  }
0xcc: {  	[hbm4b:s8+s2] =	stream.linear.scatter [tilespmem:s24], [sflag:$0x2], $0x800, $0x38;
	[tilespmem:$0x888] =	vst v63  }
0xcd: {  	_ = 	snop  }
0xce: {  	[hbm4b:s9+s2] =	stream.linear.scatter [tilespmem:s24], [sflag:$0x2], $0x800, $0x38;
	[tilespmem:$0x888] =	vst v63  }
0xcf: {  	_ = 	snop  }
0xd0: {  	[hbm4b:s10+s2] =	stream.linear.scatter [tilespmem:s24], [sflag:$0x2], $0x800, $0x38;
	[tilespmem:$0x888] =	vst v63  }
0xd1: {  	_ = 	snop  }
0xd2: {  	[hbm4b:s11+s2] =	stream.linear.scatter [tilespmem:s24], [sflag:$0x2], $0x800, $0x38;
	[tilespmem:$0x888] =	vst v63  }
0xd3: {  	_ = 	snop  }
0xd4: {  	[hbm4b:s12+s2] =	stream.linear.scatter [tilespmem:s24], [sflag:$0x2], $0x800, $0x38;
	[tilespmem:$0x888] =	vst v63  }
0xd5: {  	_ = 	snop  }
0xd6: {  	[hbm4b:s13+s2] =	stream.linear.scatter [tilespmem:s24], [sflag:$0x2], $0x800, $0x38;
	[tilespmem:$0x888] =	vst v63  }
0xd7: {  	_ = 	snop  }
0xd8: {  	[hbm4b:s14+s2] =	stream.linear.scatter [tilespmem:s24], [sflag:$0x2], $0x800, $0x38;
	[tilespmem:$0x888] =	vst v63  }
0xd9: {  	_ = 	snop  }
0xda: {  	[hbm4b:s15+s2] =	stream.linear.scatter [tilespmem:s24], [sflag:$0x2], $0x800, $0x38;
	[tilespmem:$0x888] =	vst v63  }
0xdb: {  	_ = 	snop  }
0xdc: {  	[hbm4b:s16+s2] =	stream.linear.scatter [tilespmem:s24], [sflag:$0x2], $0x800, $0x38;
	[tilespmem:$0x888] =	vst v63  }
0xdd: {  	_ = 	snop  }
0xde: {  	[hbm4b:s17+s2] =	stream.linear.scatter [tilespmem:s24], [sflag:$0x2], $0x800, $0x38;
	[tilespmem:$0x888] =	vst v63  }
0xdf: {  	_ = 	snop  }
0xe0: {  	[hbm4b:s18+s2] =	stream.linear.scatter [tilespmem:s24], [sflag:$0x2], $0x800, $0x38;
	[tilespmem:$0x888] =	vst v63  }
0xe1: {  	_ = 	snop  }
0xe2: {  	[hbm4b:s19+s2] =	stream.linear.scatter [tilespmem:s24], [sflag:$0x2], $0x800, $0x38;
	[tilespmem:$0x888] =	vst v63  }
0xe3: {  	_ = 	snop  }
0xe4: {  	[hbm4b:s20+s2] =	stream.linear.scatter [tilespmem:s24], [sflag:$0x2], $0x800, $0x38;
	[tilespmem:$0x888] =	vst v63  }
0xe5: {  	_ = 	snop  }
0xe6: {  	[hbm4b:s21+s2] =	stream.linear.scatter [tilespmem:s24], [sflag:$0x2], $0x800, $0x38;
	[tilespmem:$0x888] =	vst v63  }
0xe7: {  	_ = 	snop  }
0xe8: {  	[hbm4b:s22+s2] =	stream.linear.scatter [tilespmem:s24], [sflag:$0x2], $0x800, $0x38;
	[tilespmem:$0x888] =	vst v63  }
0xe9: {  	_ =	swait.ge [sflag:s26], $0x800  }
0xea: {  	[sflag:s26] =	ssyncset.done $0x0  }
0xeb: {  	[sflag:s26] =	ssyncadd.s32 $0xFFFFF800  }
0xec: {  	_ =	swait.ge [sflag:s26], $0x800  }
0xed: {  	[sflag:s26] =	ssyncset.done $0x0  }
0xee: {  	[sflag:s26] =	ssyncadd.s32 $0xFFFFF800  }
0xef: {  	_ =	swait.ge [sflag:s26], $0x800  }
0xf0: {  	[sflag:s26] =	ssyncset.done $0x0  }
0xf1: {  	[sflag:s26] =	ssyncadd.s32 $0xFFFFF800  }
0xf2: {  	_ =	swait.ge [sflag:s26], $0x800  }
0xf3: {  	[sflag:s26] =	ssyncset.done $0x0  }
0xf4: {  	[sflag:s26] =	ssyncadd.s32 $0xFFFFF800  }
0xf5: {  	_ =	swait.ge [sflag:s26], $0x800  }
0xf6: {  	[sflag:s26] =	ssyncset.done $0x0  }
0xf7: {  	[sflag:s26] =	ssyncadd.s32 $0xFFFFF800  }
0xf8: {  	_ =	swait.ge [sflag:s26], $0x800  }
0xf9: {  	[sflag:s26] =	ssyncset.done $0x0  }
0xfa: {  	[sflag:s26] =	ssyncadd.s32 $0xFFFFF800  }
0xfb: {  	_ =	swait.ge [sflag:s26], $0x800  }
0xfc: {  	[sflag:s26] =	ssyncset.done $0x0  }
0xfd: {  	[sflag:s26] =	ssyncadd.s32 $0xFFFFF800  }
0xfe: {  	_ =	swait.ge [sflag:s26], $0x800  }
0xff: {  	[sflag:s26] =	ssyncset.done $0x0  }
0x100: {  	[sflag:s26] =	ssyncadd.s32 $0xFFFFF800  }
0x101: {  	_ =	swait.ge [sflag:s26], $0x800  }
0x102: {  	[sflag:s26] =	ssyncset.done $0x0  }
0x103: {  	[sflag:s26] =	ssyncadd.s32 $0xFFFFF800  }
0x104: {  	_ =	swait.ge [sflag:s26], $0x800  }
0x105: {  	[sflag:s26] =	ssyncset.done $0x0  }
0x106: {  	[sflag:s26] =	ssyncadd.s32 $0xFFFFF800  }
0x107: {  	_ =	swait.ge [sflag:s26], $0x800  }
0x108: {  	[sflag:s26] =	ssyncset.done $0x0  }
0x109: {  	[sflag:s26] =	ssyncadd.s32 $0xFFFFF800  }
0x10a: {  	_ =	swait.ge [sflag:s26], $0x800  }
0x10b: {  	[sflag:s26] =	ssyncset.done $0x0  }
0x10c: {  	[sflag:s26] =	ssyncadd.s32 $0xFFFFF800  }
0x10d: {  	_ =	swait.ge [sflag:s26], $0x800  }
0x10e: {  	[sflag:s26] =	ssyncset.done $0x0  }
0x10f: {  	[sflag:s26] =	ssyncadd.s32 $0xFFFFF800  }
0x110: {  	_ =	swait.ge [sflag:s26], $0x800  }
0x111: {  	[sflag:s26] =	ssyncset.done $0x0  }
0x112: {  	[sflag:s26] =	ssyncadd.s32 $0xFFFFF800  }
0x113: {  	_ =	swait.ge [sflag:s26], $0x800  }
0x114: {  	[sflag:s26] =	ssyncset.done $0x0  }
0x115: {  	[sflag:s26] =	ssyncadd.s32 $0xFFFFF800  }
0x116: {  	_ =	swait.ge [sflag:s26], $0x800  }
0x117: {  	[sflag:s26] =	ssyncset.done $0x0  }
0x118: {  	[sflag:s26] =	ssyncadd.s32 $0xFFFFF800  }
0x119: {  	_ =	swait.ge [sflag:s26], $0x800  }
0x11a: {  	[sflag:s26] =	ssyncset.done $0x0  }
0x11b: {  	[sflag:s26] =	ssyncadd.s32 $0xFFFFF800  }
0x11c: {  	_ =	swait.ge [sflag:s26], $0x800  }
0x11d: {  	[sflag:s26] =	ssyncset.done $0x0  }
0x11e: {  	[sflag:s26] =	ssyncadd.s32 $0xFFFFF800  }
0x11f: {  	_ =	swait.ge [sflag:s26], $0x800  }
0x120: {  	[sflag:s26] =	ssyncset.done $0x0  }
0x121: {  	[sflag:s26] =	ssyncadd.s32 $0xFFFFF800  }
0x122: {  	_ =	swait.ge [sflag:s26], $0x800  }
0x123: {  	[sflag:s26] =	ssyncset.done $0x0  }
0x124: {  	[sflag:s26] =	ssyncadd.s32 $0xFFFFF800  }
0x125: {  	_ =	swait.ge [sflag:s26], $0x800  }
0x126: {  	[sflag:s26] =	ssyncset.done $0x0  }
0x127: {  	[sflag:s26] =	ssyncadd.s32 $0xFFFFF800  }
0x128: {  	_ =	swait.ge [sflag:s26], $0x800  }
0x129: {  	[sflag:s26] =	ssyncset.done $0x0  }
0x12a: {  	[sflag:s26] =	ssyncadd.s32 $0xFFFFF800  }
0x12b: {  	_ =	swait.ge [sflag:s26], $0x800  }
0x12c: {  	[sflag:s26] =	ssyncset.done $0x0  }
0x12d: {  	[sflag:s26] =	ssyncadd.s32 $0xFFFFF800  }
0x12e: {  	_ =	swait.ge [sflag:s26], $0x800  }
0x12f: {  	[sflag:s26] =	ssyncset.done $0x0  }
0x130: {  	[sflag:s26] =	ssyncadd.s32 $0xFFFFF800  }
0x131: {  	_ =	swait.ge [sflag:s26], $0x800  }
0x132: {  	[sflag:s26] =	ssyncset.done $0x0  }
0x133: {  	[sflag:s26] =	ssyncadd.s32 $0xFFFFF800  }
0x134: {  	_ =	swait.ge [sflag:s26], $0x800  }
0x135: {  	[sflag:s26] =	ssyncset.done $0x0  }
0x136: {  	[sflag:s26] =	ssyncadd.s32 $0xFFFFF800  }
0x137: {  	_ =	swait.ge [sflag:s26], $0x800  }
0x138: {  	[sflag:s26] =	ssyncset.done $0x0  }
0x139: {  	[sflag:s26] =	ssyncadd.s32 $0xFFFFF800  }
0x13a: {  	_ =	swait.ge [sflag:s26], $0x800  }
0x13b: {  	[sflag:s26] =	ssyncset.done $0x0  }
0x13c: {  	[sflag:s26] =	ssyncadd.s32 $0xFFFFF800  }
0x13d: {  	_ =	swait.ge [sflag:s26], $0x800  }
0x13e: {  	[sflag:s26] =	ssyncset.done $0x0  }
0x13f: {  	[sflag:s26] =	ssyncadd.s32 $0xFFFFF800  }
0x140: {  	_ =	swait.ge [sflag:s26], $0x800  }
0x141: {  	[sflag:s26] =	ssyncset.done $0x0  }
0x142: {  	s23 =	sadd.s32 $0xFFFFFFFF, s23;
	[sflag:s26] =	ssyncadd.s32 $0xFFFFF800  }
0x143: {  	p1 =	sne.s32 s23, $0x0;
	_ =	swait.ge [sflag:s26], $0x800  }
.Ltmp0:
0x144: {  	[sflag:s26] =	ssyncset.done $0x0;
	(pc) =	sbr.rel @p1 .LBB2_1-.Ltmp0, $4  }
0x145: {  	[sflag:s26] =	ssyncadd.s32 $0xFFFFF800  }
0x146: {  	_ =	swait.ge [sflag:s26], $0x800  }
0x147: {  	[sflag:s26] =	ssyncset.done $0x0  }
0x148: {  	[sflag:s26] =	ssyncadd.s32 $0xFFFFF800  }
0x149: {  	_ =	sfence.sel $0x180000  }
0x14a: {  	[bflag:$0x0] =	sbarrier.arrive $0xFFFF  }
0x14b: {  	_ =	strace $0x90000047  }
0x14c: {  	[bflag:$0x2] =	sbarrier.arrive $0xFFFF  }
0x14d: {  	s0 =	rddreg [dreg:$0x4]  }
0x14e: {  	s0 =	sadd.s32 @!p0 $0x100000, s0  }
0x14f: {  	[sflag:s0] =	ssyncadd.tile.s32 @!p0 $0x1;
	_ =	shalt  }
.Lfunc_end2:
_tile_overlayer_lowered:
.L_overlay_start_2:
0x150: {  	(tag) =	ssettag $0x2  }
0x151: {  	s0 =	rddreg [dreg:$0x0];
	s2 =	stileid.u32  }
0x152: {  	s1 =	rddreg [dreg:$0x1];
	p0 =	sne.s32 s2, $0x0  }
0x153: {  	s3 =	rddreg [dreg:$0x2];
	[bflag:$0x3] =	sbarrier.arrive $0xFFFF;
	s2 =	simm.s32 @!p0 $0x1C03  }
0x154: {  	[timem:s3], [sflag:s2] =	dma.local @!p0 [hbm:s0], s1  }
0x155: {  	s0 =	simm.s32 @!p0 $0x3  }
0x156: {  	_ =	swait.ge @!p0 [sflag:s0], s1  }
0x157: {  	s1 =	ssub.s32 @!p0 $0x0, s1;
	[sflag:s0] =	ssyncset.done @!p0 $0x0  }
0x158: {  	[sflag:s0] =	ssyncadd.s32 @!p0 s1  }
0x159: {  	[bflag:$0x3] =	sbarrier.arrive $0xFFFF  }
0x15a: {  	_ =	shalt  }

</sc_bundles>
